<compile_context>
chip_gen: v7x
topology: tpu7x:2x2x1
jax: 0.10.2.dev20260603
libtpu: 0.0.44.dev20260713+nightly
codegen_flags: <defaults>
</compile_context>

<pallas_src>
import functools

import jax
import jax.numpy as jnp
from jax import lax
from jax.experimental import pallas as pl
from jax.experimental.pallas import tpu as pltpu
from jax.experimental.pallas import tpu_sc as plsc

N = 10000
E = 320000
D = 128
HP = 8
G = 16
PR = N // 16

NC = 2
NS = 16
NW = NC * NS
EPW = E // NW
RPT = N // NS


NCHUNK = 5
CR = PR // NCHUNK


def _first_layer_body(x_ref, w_ref, p_ref, f_ref, h_ref, z_ref, y_acc):
    i = pl.program_id(0)
    wt = w_ref[...]
    lane = lax.broadcasted_iota(jnp.int32, (D, 128), 1)
    yp = jnp.dot(x_ref[:, 0, :], jnp.where(lane < HP, wt, 0.0),
                 preferred_element_type=jnp.float32)
    for k in range(1, 16):
        wk = jnp.where(lane // HP == k, wt, 0.0)
        yp = yp + jnp.dot(x_ref[:, k, :], wk,
                          preferred_element_type=jnp.float32)
    y_acc[pl.ds(i * CR, CR), :] = yp + p_ref[0:1, :]

    @pl.when(i == NCHUNK - 1)
    def _():
        yb = y_acc[...]
        s1 = jnp.sum(yb, axis=0, keepdims=True)
        mu = jnp.dot(s1, f_ref[...], preferred_element_type=jnp.float32) / N
        yc = yb - mu
        s2 = jnp.sum(yc * yc, axis=0, keepdims=True)
        var = jnp.dot(s2, f_ref[...], preferred_element_type=jnp.float32) / N
        r0 = lax.rsqrt(var + 1e-5)
        r = r0 * (1.5 - 0.5 * (var + 1e-5) * r0 * r0)
        hn = p_ref[1:2, :] * yc * r + p_ref[2:3, :]
        h_ref[...] = jnp.maximum(hn, 0.0)
        z_ref[...] = jnp.zeros((PR, 128), jnp.float32)


def _segment_sum_body(h_hbm, z_hbm, ei_hbm, out0_hbm, out1_hbm,
                      h_sh, agg_sh, src_v, dst_v, rows_v,
                      sem, sem2, sem3, sem4):
    cid = lax.axis_index("c")
    sid = lax.axis_index("s")
    wid = sid * NC + cid
    rbase = sid * RPT

    ebase = wid * EPW
    c1 = pltpu.async_copy(h_hbm.at[pl.ds(rbase, RPT)],
                          h_sh.at[pl.ds(rbase, RPT)], sem)
    c2 = pltpu.async_copy(z_hbm.at[pl.ds(rbase, RPT)],
                          agg_sh.at[pl.ds(rbase, RPT)], sem2)
    c3 = pltpu.async_copy(ei_hbm.at[pl.ds(ebase, EPW)], src_v, sem3)
    c4 = pltpu.async_copy(ei_hbm.at[pl.ds(E + ebase, EPW)], dst_v, sem4)
    c1.wait(); c2.wait(); c3.wait(); c4.wait()
    plsc.subcore_barrier()

    HALF = EPW // 2
    pltpu.async_copy(h_sh.at[src_v.at[pl.ds(0, HALF)]],
                     rows_v.at[pl.ds(0, HALF)], sem).wait()
    pltpu.async_copy(h_sh.at[src_v.at[pl.ds(HALF, HALF)]],
                     rows_v.at[pl.ds(HALF, HALF)], sem2)
    pltpu.sync_copy(rows_v.at[pl.ds(0, HALF)],
                    agg_sh.at[dst_v.at[pl.ds(0, HALF)]], add=True)
    pltpu.make_async_copy(h_sh.at[src_v.at[pl.ds(HALF, HALF)]],
                          rows_v.at[pl.ds(HALF, HALF)], sem2).wait()
    pltpu.sync_copy(rows_v.at[pl.ds(HALF, HALF)],
                    agg_sh.at[dst_v.at[pl.ds(HALF, HALF)]], add=True)

    plsc.subcore_barrier()

    @pl.when(cid == 0)
    def _():
        pltpu.sync_copy(agg_sh.at[pl.ds(rbase, RPT)], out0_hbm.at[pl.ds(rbase, RPT)])

    @pl.when(cid == 1)
    def _():
        pltpu.sync_copy(agg_sh.at[pl.ds(rbase, RPT)], out1_hbm.at[pl.ds(rbase, RPT)])


_segment_sum_sc = functools.partial(
    pl.kernel,
    mesh=plsc.VectorSubcoreMesh(
        core_axis_name="c", subcore_axis_name="s",
        num_cores=NC, num_subcores=NS),
    out_type=(
        jax.ShapeDtypeStruct((N, HP), jnp.float32),
        jax.ShapeDtypeStruct((N, HP), jnp.float32),
    ),
    compiler_params=pltpu.CompilerParams(use_tc_tiling_on_sc=False),
    scratch_types=[
        pltpu.VMEM_SHARED((N, HP), jnp.float32),
        pltpu.VMEM_SHARED((N, HP), jnp.float32),
        pltpu.VMEM((EPW,), jnp.int32),
        pltpu.VMEM((EPW,), jnp.int32),
        pltpu.VMEM((EPW, HP), jnp.float32),
        pltpu.SemaphoreType.DMA,
        pltpu.SemaphoreType.DMA,
        pltpu.SemaphoreType.DMA,
        pltpu.SemaphoreType.DMA,
    ],
)(_segment_sum_body)


def _second_layer_body(h_ref, a0_ref, a1_ref, bp_ref,
                       wc_ref, p_ref, f_ref, bsum_ref,
                       sel_ref, l0b_ref, l1b_ref,
                       wsi_ref, node_ref):
    h = h_ref[...]
    m = h + a0_ref[...] + a1_ref[...]
    y = jnp.dot(m, wc_ref[...], preferred_element_type=jnp.float32)
    y = y + p_ref[3:4, :]
    s1 = jnp.sum(y, axis=0, keepdims=True)
    mu = jnp.dot(s1, f_ref[...], preferred_element_type=jnp.float32) / N
    yc = y - mu
    s2 = jnp.sum(yc * yc, axis=0, keepdims=True)
    var = jnp.dot(s2, f_ref[...], preferred_element_type=jnp.float32) / N
    r0 = lax.rsqrt(var + 1e-5)
    r = r0 * (1.5 - 0.5 * (var + 1e-5) * r0 * r0)
    h2 = p_ref[4:5, :] * yc * r + p_ref[5:6, :]
    h2 = jnp.maximum(h2, 0.0)
    np0 = jnp.dot(h * p_ref[6:7, :], bsum_ref[...],
                  preferred_element_type=jnp.float32) + l0b_ref[...]
    np1 = jnp.dot(h2 * p_ref[7:8, :], bsum_ref[...],
                  preferred_element_type=jnp.float32) + l1b_ref[...]
    node_ref[...] = jnp.dot(np0 + np1, sel_ref[...],
                            preferred_element_type=jnp.float32)
    bp = bp_ref[...]
    neg = jnp.float32(-jnp.inf)
    ws = []
    for g in range(G):
        msk = bp == g
        w0 = jnp.max(jnp.where(msk, np0, neg))
        w1 = jnp.max(jnp.where(msk, np1, neg))
        ws.append((w0 + w1)[None, None])
    wsi_ref[...] = jnp.concatenate(ws, axis=0)


def kernel(x, edge_index, batch, W1, b1, g1, be1, L0_W, L0_b,
           Wc, bc, gc, bec, L1_W, L1_b):
    f32 = jnp.float32
    W1p = jnp.pad(W1, ((0, 0), (0, HP - W1.shape[1])))
    w1t = jnp.tile(W1p, (1, 16))
    p8 = jnp.stack([b1, g1, be1, bc, gc, bec, L0_W[:, 0], L1_W[:, 0]])
    params = jnp.tile(jnp.pad(p8, ((0, 0), (0, HP - p8.shape[1]))), (1, 16))
    l0b = L0_b.reshape(1, 1).astype(f32)
    l1b = L1_b.reshape(1, 1).astype(f32)
    ii = lax.broadcasted_iota(jnp.int32, (128, 128), 0)
    jj = lax.broadcasted_iota(jnp.int32, (128, 128), 1)
    Wcp = jnp.pad(Wc, ((0, HP - Wc.shape[0]), (0, HP - Wc.shape[1])))
    wc_blk = jnp.where(ii // HP == jj // HP, jnp.tile(Wcp, (16, 16)), 0.0)
    fold = (ii % HP == jj % HP).astype(f32)
    bsum = (ii // HP == jj // HP).astype(f32)
    i2 = lax.broadcasted_iota(jnp.int32, (128, 16), 0)
    j2 = lax.broadcasted_iota(jnp.int32, (128, 16), 1)
    sel = (i2 == j2 * HP).astype(f32)
    bp = jnp.broadcast_to(batch.reshape(PR, 16, 1), (PR, 16, HP))
    bp = bp.reshape(PR, 128)

    h, z = pl.pallas_call(
        _first_layer_body,
        grid=(NCHUNK,),
        in_specs=[
            pl.BlockSpec((CR, 16, D), lambda i: (i, 0, 0)),
            pl.BlockSpec((D, 128), lambda i: (0, 0)),
            pl.BlockSpec((8, 128), lambda i: (0, 0)),
            pl.BlockSpec((128, 128), lambda i: (0, 0)),
        ],
        out_specs=(
            pl.BlockSpec((PR, 128), lambda i: (0, 0)),
            pl.BlockSpec((PR, 128), lambda i: (0, 0)),
        ),
        scratch_shapes=[pltpu.VMEM((PR, 128), f32)],
        out_shape=(
            jax.ShapeDtypeStruct((PR, 128), f32),
            jax.ShapeDtypeStruct((PR, 128), f32),
        ),
    )(x.reshape(PR, 16, D), w1t, params, fold)

    ei = edge_index.reshape(2 * E)
    agg0, agg1 = _segment_sum_sc(h.reshape(N, HP), z.reshape(N, HP), ei)
    a0p = agg0.reshape(PR, 128)
    a1p = agg1.reshape(PR, 128)

    wsi, node_sel = pl.pallas_call(
        _second_layer_body,
        out_shape=(
            jax.ShapeDtypeStruct((G, 1), f32),
            jax.ShapeDtypeStruct((PR, 16), f32),
        ),
    )(h, a0p, a1p, bp, wc_blk, params, fold, bsum, sel, l0b, l1b)
    return (wsi, node_sel.reshape(N, 1))

# --- scband reference (transcript-rebuilt; emitter-appended) ---
"""Pipeline reference for scband-slide-graph-arch-13065290514455 (READ-ONLY COPY).

The authoritative reference and input builder live on the scoring server;
editing this copy changes nothing except your own understanding.
"""

import jax, jax.numpy as jnp
import numpy as np

N = 10000
E = 320000
D = 128
H = 6
T = 1
G = 16


def setup_inputs(seed: int = 0) -> dict:
    key = jax.random.key(seed)
    ks = jax.random.split(key, 16)
    x = jax.random.normal(ks[0], (N, D), dtype=jnp.float32)
    edge_index = jax.random.randint(ks[1], (2, E), 0, N, dtype=jnp.int32)
    batch = jnp.sort(jax.random.randint(ks[2], (N,), 0, G, dtype=jnp.int32))
    s = 0.05
    W1 = jax.random.normal(ks[3], (D, H), dtype=jnp.float32) * s
    b1 = jnp.zeros((H,), dtype=jnp.float32)
    g1 = jnp.ones((H,), dtype=jnp.float32)
    be1 = jnp.zeros((H,), dtype=jnp.float32)
    L0_W = jax.random.normal(ks[4], (H, T), dtype=jnp.float32) * s
    L0_b = jnp.zeros((T,), dtype=jnp.float32)
    Wc = jax.random.normal(ks[5], (H, H), dtype=jnp.float32) * s
    bc = jnp.zeros((H,), dtype=jnp.float32)
    gc = jnp.ones((H,), dtype=jnp.float32)
    bec = jnp.zeros((H,), dtype=jnp.float32)
    L1_W = jax.random.normal(ks[6], (H, T), dtype=jnp.float32) * s
    L1_b = jnp.zeros((T,), dtype=jnp.float32)
    return {"x": x, "edge_index": edge_index, "batch": batch,
            "W1": W1, "b1": b1, "g1": g1, "be1": be1,
            "L0_W": L0_W, "L0_b": L0_b,
            "Wc": Wc, "bc": bc, "gc": gc, "bec": bec,
            "L1_W": L1_W, "L1_b": L1_b}


def _bn(h, gamma, beta):
    # BatchNorm1d in training mode: batch statistics, biased variance
    mu = jnp.mean(h, axis=0)
    var = jnp.var(h, axis=0)
    return gamma * (h - mu) / jnp.sqrt(var + 1e-5) + beta


def reference(x, edge_index, batch, W1, b1, g1, be1, L0_W, L0_b, Wc, bc, gc, bec, L1_W, L1_b):
    # first_h: Linear -> BN -> ReLU
    h = jax.nn.relu(_bn(x @ W1 + b1, g1, be1))
    # layer 0: node prediction + global max pool
    np0 = h @ L0_W + L0_b
    node_prediction = np0
    wsi_prediction = jax.ops.segment_max(np0, batch, num_segments=G)
    # layer 1: GINConv with eps=0 -> nn((1+eps)*x + sum_{j in N(i)} x_j)
    src = edge_index[0]
    dst = edge_index[1]
    agg = jax.ops.segment_sum(h[src], dst, num_segments=N)
    m = h + agg
    h = jax.nn.relu(_bn(m @ Wc + bc, gc, bec))
    np1 = h @ L1_W + L1_b
    node_prediction = node_prediction + np1
    wsi_prediction = wsi_prediction + jax.ops.segment_max(np1, batch, num_segments=G)
    return (wsi_prediction, node_prediction)

if __name__ == "__main__":
    import jax
    _d = setup_inputs()
    print(jax.jit(kernel)(*tuple(_d.values())))

</pallas_src>

<mosaic_0001>
#map = affine_map<(d0, d1) -> (0, 0)>
#map1 = affine_map<(d0, d1) -> (0)>
module attributes {stable_mosaic.version = 14 : i64} {
  func.func @_segment_sum_body(%arg0: i32, %arg1: i32, %arg2: memref<10000x8xf32, #tpu.memory_space<hbm>>, %arg3: memref<10000x8xf32, #tpu.memory_space<hbm>>, %arg4: memref<640000xi32, #tpu.memory_space<hbm>>, %arg5: memref<10000x8xf32, #tpu.memory_space<hbm>>, %arg6: memref<10000x8xf32, #tpu.memory_space<hbm>>, %arg7: memref<10000x8xf32, #tpu.memory_space<vmem_shared>>, %arg8: memref<10000x8xf32, #tpu.memory_space<vmem_shared>>, %arg9: memref<10000xi32, #tpu.memory_space<vmem>>, %arg10: memref<10000xi32, #tpu.memory_space<vmem>>, %arg11: memref<10000x8xf32, #tpu.memory_space<vmem>>, %arg12: memref<!tpu.dma_semaphore, #tpu.memory_space<semaphore_mem>>, %arg13: memref<!tpu.dma_semaphore, #tpu.memory_space<semaphore_mem>>, %arg14: memref<!tpu.dma_semaphore, #tpu.memory_space<semaphore_mem>>, %arg15: memref<!tpu.dma_semaphore, #tpu.memory_space<semaphore_mem>>) attributes {dimension_semantics = [#tpu.dimension_semantics<core_parallel>, #tpu.dimension_semantics<subcore_parallel>], iteration_bounds = array<i64: 2, 16>, scalar_prefetch = 0 : i64, scratch_operands = 9 : i64, tpu.core_type = #tpu.core_type<sc_vector_subcore>, window_params = [{transform_indices = #map}, {transform_indices = #map}, {transform_indices = #map1}, {transform_indices = #map}, {transform_indices = #map}]} {
    %mul3A = arith.constant 2 : i32
    %mul3A_0 = arith.muli %arg1, %mul3A : i32
    %add3A = arith.addi %mul3A_0, %arg0 : i32
    %mul3A_1 = arith.constant 625 : i32
    %mul3A_2 = arith.muli %arg1, %mul3A_1 : i32
    %mul3A_3 = arith.constant 10000 : i32
    %mul3A_4 = arith.muli %add3A, %mul3A_3 : i32
    %dma_start3A = arith.constant 0 : i32
    %dma_start3A_5 = tpu.memref_slice %arg7[%mul3A_2, %dma_start3A] : memref<10000x8xf32, #tpu.memory_space<vmem_shared>> -> memref<625x8xf32, #tpu.memory_space<vmem_shared>>
    %dma_start3A_6 = arith.constant 0 : i32
    %dma_start3A_7 = tpu.memref_slice %arg2[%mul3A_2, %dma_start3A_6] : memref<10000x8xf32, #tpu.memory_space<hbm>> -> memref<625x8xf32, #tpu.memory_space<hbm>>
    tpu.enqueue_dma source(%dma_start3A_7 : memref<625x8xf32, #tpu.memory_space<hbm>>) target(%dma_start3A_5 : memref<625x8xf32, #tpu.memory_space<vmem_shared>>) target_semaphore(%arg12 : memref<!tpu.dma_semaphore, #tpu.memory_space<semaphore_mem>>)
    %dma_start3A_8 = arith.constant 0 : i32
    %dma_start3A_9 = tpu.memref_slice %arg8[%mul3A_2, %dma_start3A_8] : memref<10000x8xf32, #tpu.memory_space<vmem_shared>> -> memref<625x8xf32, #tpu.memory_space<vmem_shared>>
    %dma_start3A_10 = arith.constant 0 : i32
    %dma_start3A_11 = tpu.memref_slice %arg3[%mul3A_2, %dma_start3A_10] : memref<10000x8xf32, #tpu.memory_space<hbm>> -> memref<625x8xf32, #tpu.memory_space<hbm>>
    tpu.enqueue_dma source(%dma_start3A_11 : memref<625x8xf32, #tpu.memory_space<hbm>>) target(%dma_start3A_9 : memref<625x8xf32, #tpu.memory_space<vmem_shared>>) target_semaphore(%arg13 : memref<!tpu.dma_semaphore, #tpu.memory_space<semaphore_mem>>)
    %dma_start3A_12 = tpu.memref_slice %arg4[%mul3A_4] : memref<640000xi32, #tpu.memory_space<hbm>> -> memref<10000xi32, #tpu.memory_space<hbm>>
    %dma_start3A_13 = tpu.memref_slice %arg4[%mul3A_4] : memref<640000xi32, #tpu.memory_space<hbm>> -> memref<10000xi32, #tpu.memory_space<hbm>>
    tpu.enqueue_dma source(%dma_start3A_13 : memref<10000xi32, #tpu.memory_space<hbm>>) target(%arg9 : memref<10000xi32, #tpu.memory_space<vmem>>) target_semaphore(%arg14 : memref<!tpu.dma_semaphore, #tpu.memory_space<semaphore_mem>>)
    %add3A_14 = arith.constant 320000 : i32
    %add3A_15 = arith.addi %add3A_14, %mul3A_4 : i32
    %dma_start3A_16 = tpu.memref_slice %arg4[%add3A_15] : memref<640000xi32, #tpu.memory_space<hbm>> -> memref<10000xi32, #tpu.memory_space<hbm>>
    %dma_start3A_17 = tpu.memref_slice %arg4[%add3A_15] : memref<640000xi32, #tpu.memory_space<hbm>> -> memref<10000xi32, #tpu.memory_space<hbm>>
    tpu.enqueue_dma source(%dma_start3A_17 : memref<10000xi32, #tpu.memory_space<hbm>>) target(%arg10 : memref<10000xi32, #tpu.memory_space<vmem>>) target_semaphore(%arg15 : memref<!tpu.dma_semaphore, #tpu.memory_space<semaphore_mem>>)
    %dma_wait3A = arith.constant 0 : i32
    %dma_wait3A_18 = tpu.memref_slice %arg7[%mul3A_2, %dma_wait3A] : memref<10000x8xf32, #tpu.memory_space<vmem_shared>> -> memref<625x8xf32, #tpu.memory_space<vmem_shared>>
    %dma_wait3A_19 = arith.constant 0 : i32
    %dma_wait3A_20 = tpu.memref_slice %arg2[%mul3A_2, %dma_wait3A_19] : memref<10000x8xf32, #tpu.memory_space<hbm>> -> memref<625x8xf32, #tpu.memory_space<hbm>>
    tpu.wait_dma2 semaphore(%arg12 : memref<!tpu.dma_semaphore, #tpu.memory_space<semaphore_mem>>) src(%dma_wait3A_20 : memref<625x8xf32, #tpu.memory_space<hbm>>) dst(%dma_wait3A_18 : memref<625x8xf32, #tpu.memory_space<vmem_shared>>)
    %dma_wait3A_21 = arith.constant 0 : i32
    %dma_wait3A_22 = tpu.memref_slice %arg8[%mul3A_2, %dma_wait3A_21] : memref<10000x8xf32, #tpu.memory_space<vmem_shared>> -> memref<625x8xf32, #tpu.memory_space<vmem_shared>>
    %dma_wait3A_23 = arith.constant 0 : i32
    %dma_wait3A_24 = tpu.memref_slice %arg3[%mul3A_2, %dma_wait3A_23] : memref<10000x8xf32, #tpu.memory_space<hbm>> -> memref<625x8xf32, #tpu.memory_space<hbm>>
    tpu.wait_dma2 semaphore(%arg13 : memref<!tpu.dma_semaphore, #tpu.memory_space<semaphore_mem>>) src(%dma_wait3A_24 : memref<625x8xf32, #tpu.memory_space<hbm>>) dst(%dma_wait3A_22 : memref<625x8xf32, #tpu.memory_space<vmem_shared>>)
    %dma_wait3A_25 = tpu.memref_slice %arg4[%mul3A_4] : memref<640000xi32, #tpu.memory_space<hbm>> -> memref<10000xi32, #tpu.memory_space<hbm>>
    %dma_wait3A_26 = tpu.memref_slice %arg4[%mul3A_4] : memref<640000xi32, #tpu.memory_space<hbm>> -> memref<10000xi32, #tpu.memory_space<hbm>>
    tpu.wait_dma2 semaphore(%arg14 : memref<!tpu.dma_semaphore, #tpu.memory_space<semaphore_mem>>) src(%dma_wait3A_26 : memref<10000xi32, #tpu.memory_space<hbm>>) dst(%arg9 : memref<10000xi32, #tpu.memory_space<vmem>>)
    %dma_wait3A_27 = tpu.memref_slice %arg4[%add3A_15] : memref<640000xi32, #tpu.memory_space<hbm>> -> memref<10000xi32, #tpu.memory_space<hbm>>
    %dma_wait3A_28 = tpu.memref_slice %arg4[%add3A_15] : memref<640000xi32, #tpu.memory_space<hbm>> -> memref<10000xi32, #tpu.memory_space<hbm>>
    tpu.wait_dma2 semaphore(%arg15 : memref<!tpu.dma_semaphore, #tpu.memory_space<semaphore_mem>>) src(%dma_wait3A_28 : memref<10000xi32, #tpu.memory_space<hbm>>) dst(%arg10 : memref<10000xi32, #tpu.memory_space<vmem>>)
    %barrier3A = arith.constant 0 : index
    tpu.barrier barrier_id(%barrier3A)
    %dma_start3A_29 = arith.constant 0 : i32
    %dma_start3A_30 = arith.constant 0 : i32
    %dma_start3A_31 = tpu.memref_slice %arg11[%dma_start3A_29, %dma_start3A_30] : memref<10000x8xf32, #tpu.memory_space<vmem>> -> memref<5000x8xf32, #tpu.memory_space<vmem>>
    %dma_start3A_32 = arith.constant 0 : i32
    %dma_start3A_33 = tpu.memref_slice %arg9[%dma_start3A_32] : memref<10000xi32, #tpu.memory_space<vmem>> -> memref<5000xi32, #tpu.memory_space<vmem>>
    %dma_start3A_34 = arith.constant 0 : i32
    %dma_start3A_35 = arith.constant 0 : i32
    %dma_start3A_36 = tpu.memref_slice %arg7[%dma_start3A_34, %dma_start3A_35] : memref<10000x8xf32, #tpu.memory_space<vmem_shared>> -> memref<10000x8xf32, #tpu.memory_space<vmem_shared>>
    tpu.enqueue_indirect_dma source(%dma_start3A_36 : memref<10000x8xf32, #tpu.memory_space<vmem_shared>>) target(%dma_start3A_31 : memref<5000x8xf32, #tpu.memory_space<vmem>>) offsets(%dma_start3A_33 : memref<5000xi32, #tpu.memory_space<vmem>>) semaphore(%arg12 : memref<!tpu.dma_semaphore, #tpu.memory_space<semaphore_mem>>)
    %dma_wait3A_37 = arith.constant 0 : i32
    %dma_wait3A_38 = arith.constant 0 : i32
    %dma_wait3A_39 = tpu.memref_slice %arg11[%dma_wait3A_37, %dma_wait3A_38] : memref<10000x8xf32, #tpu.memory_space<vmem>> -> memref<5000x8xf32, #tpu.memory_space<vmem>>
    %dma_wait3A_40 = arith.constant 0 : i32
    %dma_wait3A_41 = tpu.memref_slice %arg9[%dma_wait3A_40] : memref<10000xi32, #tpu.memory_space<vmem>> -> memref<5000xi32, #tpu.memory_space<vmem>>
    %dma_wait3A_42 = arith.constant 0 : i32
    %dma_wait3A_43 = arith.constant 0 : i32
    %dma_wait3A_44 = tpu.memref_slice %arg7[%dma_wait3A_42, %dma_wait3A_43] : memref<10000x8xf32, #tpu.memory_space<vmem_shared>> -> memref<10000x8xf32, #tpu.memory_space<vmem_shared>>
    tpu.wait_indirect_dma semaphore(%arg12 : memref<!tpu.dma_semaphore, #tpu.memory_space<semaphore_mem>>) src(%dma_wait3A_44 : memref<10000x8xf32, #tpu.memory_space<vmem_shared>>) dst(%dma_wait3A_39 : memref<5000x8xf32, #tpu.memory_space<vmem>>)
    %dma_start3A_45 = arith.constant 5000 : i32
    %dma_start3A_46 = arith.constant 0 : i32
    %dma_start3A_47 = tpu.memref_slice %arg11[%dma_start3A_45, %dma_start3A_46] : memref<10000x8xf32, #tpu.memory_space<vmem>> -> memref<5000x8xf32, #tpu.memory_space<vmem>>
    %dma_start3A_48 = arith.constant 5000 : i32
    %dma_start3A_49 = tpu.memref_slice %arg9[%dma_start3A_48] : memref<10000xi32, #tpu.memory_space<vmem>> -> memref<5000xi32, #tpu.memory_space<vmem>>
    %dma_start3A_50 = arith.constant 0 : i32
    %dma_start3A_51 = arith.constant 0 : i32
    %dma_start3A_52 = tpu.memref_slice %arg7[%dma_start3A_50, %dma_start3A_51] : memref<10000x8xf32, #tpu.memory_space<vmem_shared>> -> memref<10000x8xf32, #tpu.memory_space<vmem_shared>>
    tpu.enqueue_indirect_dma source(%dma_start3A_52 : memref<10000x8xf32, #tpu.memory_space<vmem_shared>>) target(%dma_start3A_47 : memref<5000x8xf32, #tpu.memory_space<vmem>>) offsets(%dma_start3A_49 : memref<5000xi32, #tpu.memory_space<vmem>>) semaphore(%arg13 : memref<!tpu.dma_semaphore, #tpu.memory_space<semaphore_mem>>)
    "tpu.region"() ({
      %run_scoped3A = tpu.sem_alloc : memref<!tpu.dma_semaphore, #tpu.memory_space<semaphore_mem>>
      %dma_start3A_69 = arith.constant 0 : i32
      %dma_start3A_70 = arith.constant 0 : i32
      %dma_start3A_71 = tpu.memref_slice %arg11[%dma_start3A_69, %dma_start3A_70] : memref<10000x8xf32, #tpu.memory_space<vmem>> -> memref<5000x8xf32, #tpu.memory_space<vmem>>
      %dma_start3A_72 = arith.constant 0 : i32
      %dma_start3A_73 = tpu.memref_slice %arg10[%dma_start3A_72] : memref<10000xi32, #tpu.memory_space<vmem>> -> memref<5000xi32, #tpu.memory_space<vmem>>
      %dma_start3A_74 = arith.constant 0 : i32
      %dma_start3A_75 = arith.constant 0 : i32
      %dma_start3A_76 = tpu.memref_slice %arg8[%dma_start3A_74, %dma_start3A_75] : memref<10000x8xf32, #tpu.memory_space<vmem_shared>> -> memref<10000x8xf32, #tpu.memory_space<vmem_shared>>
      tpu.enqueue_indirect_dma source(%dma_start3A_71 : memref<5000x8xf32, #tpu.memory_space<vmem>>) target(%dma_start3A_76 : memref<10000x8xf32, #tpu.memory_space<vmem_shared>>) offsets(%dma_start3A_73 : memref<5000xi32, #tpu.memory_space<vmem>>) semaphore(%run_scoped3A : memref<!tpu.dma_semaphore, #tpu.memory_space<semaphore_mem>>) {add = true}
      %dma_wait3A_77 = arith.constant 0 : i32
      %dma_wait3A_78 = arith.constant 0 : i32
      %dma_wait3A_79 = tpu.memref_slice %arg11[%dma_wait3A_77, %dma_wait3A_78] : memref<10000x8xf32, #tpu.memory_space<vmem>> -> memref<5000x8xf32, #tpu.memory_space<vmem>>
      %dma_wait3A_80 = arith.constant 0 : i32
      %dma_wait3A_81 = tpu.memref_slice %arg10[%dma_wait3A_80] : memref<10000xi32, #tpu.memory_space<vmem>> -> memref<5000xi32, #tpu.memory_space<vmem>>
      %dma_wait3A_82 = arith.constant 0 : i32
      %dma_wait3A_83 = arith.constant 0 : i32
      %dma_wait3A_84 = tpu.memref_slice %arg8[%dma_wait3A_82, %dma_wait3A_83] : memref<10000x8xf32, #tpu.memory_space<vmem_shared>> -> memref<10000x8xf32, #tpu.memory_space<vmem_shared>>
      tpu.wait_indirect_dma semaphore(%run_scoped3A : memref<!tpu.dma_semaphore, #tpu.memory_space<semaphore_mem>>) src(%dma_wait3A_79 : memref<5000x8xf32, #tpu.memory_space<vmem>>) dst(%dma_wait3A_84 : memref<10000x8xf32, #tpu.memory_space<vmem_shared>>)
      tpu.yield
    }) : () -> ()
    %dma_wait3A_53 = arith.constant 5000 : i32
    %dma_wait3A_54 = arith.constant 0 : i32
    %dma_wait3A_55 = tpu.memref_slice %arg11[%dma_wait3A_53, %dma_wait3A_54] : memref<10000x8xf32, #tpu.memory_space<vmem>> -> memref<5000x8xf32, #tpu.memory_space<vmem>>
    %dma_wait3A_56 = arith.constant 5000 : i32
    %dma_wait3A_57 = tpu.memref_slice %arg9[%dma_wait3A_56] : memref<10000xi32, #tpu.memory_space<vmem>> -> memref<5000xi32, #tpu.memory_space<vmem>>
    %dma_wait3A_58 = arith.constant 0 : i32
    %dma_wait3A_59 = arith.constant 0 : i32
    %dma_wait3A_60 = tpu.memref_slice %arg7[%dma_wait3A_58, %dma_wait3A_59] : memref<10000x8xf32, #tpu.memory_space<vmem_shared>> -> memref<10000x8xf32, #tpu.memory_space<vmem_shared>>
    tpu.wait_indirect_dma semaphore(%arg13 : memref<!tpu.dma_semaphore, #tpu.memory_space<semaphore_mem>>) src(%dma_wait3A_60 : memref<10000x8xf32, #tpu.memory_space<vmem_shared>>) dst(%dma_wait3A_55 : memref<5000x8xf32, #tpu.memory_space<vmem>>)
    "tpu.region"() ({
      %run_scoped3A = tpu.sem_alloc : memref<!tpu.dma_semaphore, #tpu.memory_space<semaphore_mem>>
      %dma_start3A_69 = arith.constant 5000 : i32
      %dma_start3A_70 = arith.constant 0 : i32
      %dma_start3A_71 = tpu.memref_slice %arg11[%dma_start3A_69, %dma_start3A_70] : memref<10000x8xf32, #tpu.memory_space<vmem>> -> memref<5000x8xf32, #tpu.memory_space<vmem>>
      %dma_start3A_72 = arith.constant 5000 : i32
      %dma_start3A_73 = tpu.memref_slice %arg10[%dma_start3A_72] : memref<10000xi32, #tpu.memory_space<vmem>> -> memref<5000xi32, #tpu.memory_space<vmem>>
      %dma_start3A_74 = arith.constant 0 : i32
      %dma_start3A_75 = arith.constant 0 : i32
      %dma_start3A_76 = tpu.memref_slice %arg8[%dma_start3A_74, %dma_start3A_75] : memref<10000x8xf32, #tpu.memory_space<vmem_shared>> -> memref<10000x8xf32, #tpu.memory_space<vmem_shared>>
      tpu.enqueue_indirect_dma source(%dma_start3A_71 : memref<5000x8xf32, #tpu.memory_space<vmem>>) target(%dma_start3A_76 : memref<10000x8xf32, #tpu.memory_space<vmem_shared>>) offsets(%dma_start3A_73 : memref<5000xi32, #tpu.memory_space<vmem>>) semaphore(%run_scoped3A : memref<!tpu.dma_semaphore, #tpu.memory_space<semaphore_mem>>) {add = true}
      %dma_wait3A_77 = arith.constant 5000 : i32
      %dma_wait3A_78 = arith.constant 0 : i32
      %dma_wait3A_79 = tpu.memref_slice %arg11[%dma_wait3A_77, %dma_wait3A_78] : memref<10000x8xf32, #tpu.memory_space<vmem>> -> memref<5000x8xf32, #tpu.memory_space<vmem>>
      %dma_wait3A_80 = arith.constant 5000 : i32
      %dma_wait3A_81 = tpu.memref_slice %arg10[%dma_wait3A_80] : memref<10000xi32, #tpu.memory_space<vmem>> -> memref<5000xi32, #tpu.memory_space<vmem>>
      %dma_wait3A_82 = arith.constant 0 : i32
      %dma_wait3A_83 = arith.constant 0 : i32
      %dma_wait3A_84 = tpu.memref_slice %arg8[%dma_wait3A_82, %dma_wait3A_83] : memref<10000x8xf32, #tpu.memory_space<vmem_shared>> -> memref<10000x8xf32, #tpu.memory_space<vmem_shared>>
      tpu.wait_indirect_dma semaphore(%run_scoped3A : memref<!tpu.dma_semaphore, #tpu.memory_space<semaphore_mem>>) src(%dma_wait3A_79 : memref<5000x8xf32, #tpu.memory_space<vmem>>) dst(%dma_wait3A_84 : memref<10000x8xf32, #tpu.memory_space<vmem_shared>>)
      tpu.yield
    }) : () -> ()
    %barrier3A_61 = arith.constant 0 : index
    tpu.barrier barrier_id(%barrier3A_61)
    %eq3A = arith.constant 0 : i32
    %eq3A_62 = arith.cmpi eq, %arg0, %eq3A : i32
    %convert_element_type3A = arith.extui %eq3A_62 : i1 to i32
    %cond3A = arith.constant 0 : i32
    %cond3A_63 = arith.cmpi ne, %convert_element_type3A, %cond3A : i32
    scf.if %cond3A_63 {
      "tpu.region"() ({
        %run_scoped3A = tpu.sem_alloc : memref<!tpu.dma_semaphore, #tpu.memory_space<semaphore_mem>>
        %dma_start3A_69 = arith.constant 0 : i32
        %dma_start3A_70 = tpu.memref_slice %arg5[%mul3A_2, %dma_start3A_69] : memref<10000x8xf32, #tpu.memory_space<hbm>> -> memref<625x8xf32, #tpu.memory_space<hbm>>
        %dma_start3A_71 = arith.constant 0 : i32
        %dma_start3A_72 = tpu.memref_slice %arg8[%mul3A_2, %dma_start3A_71] : memref<10000x8xf32, #tpu.memory_space<vmem_shared>> -> memref<625x8xf32, #tpu.memory_space<vmem_shared>>
        tpu.enqueue_dma source(%dma_start3A_72 : memref<625x8xf32, #tpu.memory_space<vmem_shared>>) target(%dma_start3A_70 : memref<625x8xf32, #tpu.memory_space<hbm>>) target_semaphore(%run_scoped3A : memref<!tpu.dma_semaphore, #tpu.memory_space<semaphore_mem>>)
        %dma_wait3A_73 = arith.constant 0 : i32
        %dma_wait3A_74 = tpu.memref_slice %arg5[%mul3A_2, %dma_wait3A_73] : memref<10000x8xf32, #tpu.memory_space<hbm>> -> memref<625x8xf32, #tpu.memory_space<hbm>>
        %dma_wait3A_75 = arith.constant 0 : i32
        %dma_wait3A_76 = tpu.memref_slice %arg8[%mul3A_2, %dma_wait3A_75] : memref<10000x8xf32, #tpu.memory_space<vmem_shared>> -> memref<625x8xf32, #tpu.memory_space<vmem_shared>>
        tpu.wait_dma2 semaphore(%run_scoped3A : memref<!tpu.dma_semaphore, #tpu.memory_space<semaphore_mem>>) src(%dma_wait3A_76 : memref<625x8xf32, #tpu.memory_space<vmem_shared>>) dst(%dma_wait3A_74 : memref<625x8xf32, #tpu.memory_space<hbm>>)
        tpu.yield
      }) : () -> ()
    } else {
    }
    %eq3A_64 = arith.constant 1 : i32
    %eq3A_65 = arith.cmpi eq, %arg0, %eq3A_64 : i32
    %convert_element_type3A_66 = arith.extui %eq3A_65 : i1 to i32
    %cond3A_67 = arith.constant 0 : i32
    %cond3A_68 = arith.cmpi ne, %convert_element_type3A_66, %cond3A_67 : i32
    scf.if %cond3A_68 {
      "tpu.region"() ({
        %run_scoped3A = tpu.sem_alloc : memref<!tpu.dma_semaphore, #tpu.memory_space<semaphore_mem>>
        %dma_start3A_69 = arith.constant 0 : i32
        %dma_start3A_70 = tpu.memref_slice %arg6[%mul3A_2, %dma_start3A_69] : memref<10000x8xf32, #tpu.memory_space<hbm>> -> memref<625x8xf32, #tpu.memory_space<hbm>>
        %dma_start3A_71 = arith.constant 0 : i32
        %dma_start3A_72 = tpu.memref_slice %arg8[%mul3A_2, %dma_start3A_71] : memref<10000x8xf32, #tpu.memory_space<vmem_shared>> -> memref<625x8xf32, #tpu.memory_space<vmem_shared>>
        tpu.enqueue_dma source(%dma_start3A_72 : memref<625x8xf32, #tpu.memory_space<vmem_shared>>) target(%dma_start3A_70 : memref<625x8xf32, #tpu.memory_space<hbm>>) target_semaphore(%run_scoped3A : memref<!tpu.dma_semaphore, #tpu.memory_space<semaphore_mem>>)
        %dma_wait3A_73 = arith.constant 0 : i32
        %dma_wait3A_74 = tpu.memref_slice %arg6[%mul3A_2, %dma_wait3A_73] : memref<10000x8xf32, #tpu.memory_space<hbm>> -> memref<625x8xf32, #tpu.memory_space<hbm>>
        %dma_wait3A_75 = arith.constant 0 : i32
        %dma_wait3A_76 = tpu.memref_slice %arg8[%mul3A_2, %dma_wait3A_75] : memref<10000x8xf32, #tpu.memory_space<vmem_shared>> -> memref<625x8xf32, #tpu.memory_space<vmem_shared>>
        tpu.wait_dma2 semaphore(%run_scoped3A : memref<!tpu.dma_semaphore, #tpu.memory_space<semaphore_mem>>) src(%dma_wait3A_76 : memref<625x8xf32, #tpu.memory_space<vmem_shared>>) dst(%dma_wait3A_74 : memref<625x8xf32, #tpu.memory_space<hbm>>)
        tpu.yield
      }) : () -> ()
    } else {
    }
    return
  }
}

module attributes {stable_mosaic.version = 14 : i64} {
  func.func @_first_layer_body(%arg0: i32, %arg1: memref<125x16x128xf32, #tpu.memory_space<vmem>>, %arg2: memref<128x128xf32, #tpu.memory_space<vmem>>, %arg3: memref<8x128xf32, #tpu.memory_space<vmem>>, %arg4: memref<128x128xf32, #tpu.memory_space<vmem>>, %arg5: memref<625x128xf32, #tpu.memory_space<vmem>>, %arg6: memref<625x128xf32, #tpu.memory_space<vmem>>, %arg7: memref<625x128xf32, #tpu.memory_space<vmem>>) attributes {dimension_semantics = [#tpu.dimension_semantics<arbitrary>], iteration_bounds = array<i64: 5>, scalar_prefetch = 0 : i64, scratch_operands = 1 : i64, tpu.core_type = #tpu.core_type<tc>, window_params = [{transform_indices = @transform_0, window_bounds = array<i64: 125, 16, 128>}, {pipeline_mode = #tpu.pipeline_mode<synchronous>, transform_indices = @transform_1, window_bounds = array<i64: 128, 128>}, {pipeline_mode = #tpu.pipeline_mode<synchronous>, transform_indices = @transform_2, window_bounds = array<i64: 8, 128>}, {pipeline_mode = #tpu.pipeline_mode<synchronous>, transform_indices = @transform_3, window_bounds = array<i64: 128, 128>}, {pipeline_mode = #tpu.pipeline_mode<synchronous>, transform_indices = @transform_4, window_bounds = array<i64: 625, 128>}, {pipeline_mode = #tpu.pipeline_mode<synchronous>, transform_indices = @transform_5, window_bounds = array<i64: 625, 128>}]} {
    %get3A = arith.constant 0 : index
    %get3A_0 = arith.constant 0 : index
    %get3A_1 = vector.load %arg2[%get3A, %get3A_0] : memref<128x128xf32, #tpu.memory_space<vmem>>, vector<128x128xf32>
    %iota3A = tpu.iota {dimensions = array<i32: 1>} : vector<128x128xi32>
    %get3A_2 = arith.constant 0 : index
    %get3A_3 = arith.constant 0 : index
    %get3A_4 = arith.constant 0 : index
    %get3A_5 = vector.load %arg1[%get3A_2, %get3A_3, %get3A_4] : memref<125x16x128xf32, #tpu.memory_space<vmem>>, vector<125x1x128xf32>
    %get3A_6 = vector.shape_cast %get3A_5 : vector<125x1x128xf32> to vector<125x128xf32>
    %lt3A = arith.constant 8 : i32
    %lt3A_7 = vector.broadcast %lt3A : i32 to vector<128x128xi32>
    %lt3A_8 = arith.cmpi slt, %iota3A, %lt3A_7 : vector<128x128xi32>
    %jit3A = arith.constant 0.000000e+00 : f32
    %broadcast_in_dim3A = vector.broadcast %jit3A : f32 to vector<128x128xf32>
    %select_n3A = arith.select %lt3A_8, %get3A_1, %broadcast_in_dim3A : vector<128x128xi1>, vector<128x128xf32>
    %dot_general3A = arith.constant dense<0.000000e+00> : vector<125x128xf32>
    %dot_general3A_9 = tpu.matmul %get3A_6, %select_n3A, %dot_general3A {dimension_numbers = #tpu.dot_dimension_numbers<[1], [0], [0], [1], [0, 0, 1, 1], [], []>, transpose_lhs_hint = false} : vector<125x128xf32>, vector<128x128xf32>, vector<125x128xf32> -> vector<125x128xf32>
    %jit3A_10 = arith.constant 8 : i32
    %div3A = vector.broadcast %jit3A_10 : i32 to vector<128x128xi32>
    %div3A_11 = arith.divsi %iota3A, %div3A : vector<128x128xi32>
    %sign3A = arith.constant 0 : i32
    %sign3A_12 = vector.broadcast %sign3A : i32 to vector<128x128xi32>
    %sign3A_13 = arith.cmpi sgt, %iota3A, %sign3A_12 : vector<128x128xi32>
    %sign3A_14 = arith.extui %sign3A_13 : vector<128x128xi1> to vector<128x128xi32>
    %sign3A_15 = arith.constant 0 : i32
    %sign3A_16 = vector.broadcast %sign3A_15 : i32 to vector<128x128xi32>
    %sign3A_17 = arith.cmpi slt, %iota3A, %sign3A_16 : vector<128x128xi32>
    %sign3A_18 = arith.extui %sign3A_17 : vector<128x128xi1> to vector<128x128xi32>
    %sign3A_19 = arith.subi %sign3A_14, %sign3A_18 : vector<128x128xi32>
    %sign3A_20 = arith.constant 0 : i32
    %sign3A_21 = arith.cmpi sgt, %jit3A_10, %sign3A_20 : i32
    %sign3A_22 = arith.extui %sign3A_21 : i1 to i32
    %sign3A_23 = arith.constant 0 : i32
    %sign3A_24 = arith.cmpi slt, %jit3A_10, %sign3A_23 : i32
    %sign3A_25 = arith.extui %sign3A_24 : i1 to i32
    %sign3A_26 = arith.subi %sign3A_22, %sign3A_25 : i32
    %ne3A = vector.broadcast %sign3A_26 : i32 to vector<128x128xi32>
    %ne3A_27 = arith.cmpi ne, %sign3A_19, %ne3A : vector<128x128xi32>
    %rem3A = vector.broadcast %jit3A_10 : i32 to vector<128x128xi32>
    %rem3A_28 = arith.remsi %iota3A, %rem3A : vector<128x128xi32>
    %ne3A_29 = arith.constant 0 : i32
    %ne3A_30 = vector.broadcast %ne3A_29 : i32 to vector<128x128xi32>
    %ne3A_31 = arith.cmpi ne, %rem3A_28, %ne3A_30 : vector<128x128xi32>
    %and3A = arith.andi %ne3A_27, %ne3A_31 : vector<128x128xi1>
    %sub3A = arith.constant 1 : i32
    %sub3A_32 = vector.broadcast %sub3A : i32 to vector<128x128xi32>
    %sub3A_33 = arith.subi %div3A_11, %sub3A_32 : vector<128x128xi32>
    %select_n3A_34 = arith.select %and3A, %sub3A_33, %div3A_11 : vector<128x128xi1>, vector<128x128xi32>
    %eq3A = arith.constant 1 : i32
    %eq3A_35 = vector.broadcast %eq3A : i32 to vector<128x128xi32>
    %eq3A_36 = arith.cmpi eq, %select_n3A_34, %eq3A_35 : vector<128x128xi32>
    %jit3A_37 = arith.constant 0.000000e+00 : f32
    %broadcast_in_dim3A_38 = vector.broadcast %jit3A_37 : f32 to vector<128x128xf32>
    %select_n3A_39 = arith.select %eq3A_36, %get3A_1, %broadcast_in_dim3A_38 : vector<128x128xi1>, vector<128x128xf32>
    %get3A_40 = arith.constant 0 : index
    %get3A_41 = arith.constant 1 : index
    %get3A_42 = arith.constant 0 : index
    %get3A_43 = vector.load %arg1[%get3A_40, %get3A_41, %get3A_42] : memref<125x16x128xf32, #tpu.memory_space<vmem>>, vector<125x1x128xf32>
    %get3A_44 = vector.shape_cast %get3A_43 : vector<125x1x128xf32> to vector<125x128xf32>
    %dot_general3A_45 = arith.constant dense<0.000000e+00> : vector<125x128xf32>
    %dot_general3A_46 = tpu.matmul %get3A_44, %select_n3A_39, %dot_general3A_45 {dimension_numbers = #tpu.dot_dimension_numbers<[1], [0], [0], [1], [0, 0, 1, 1], [], []>, transpose_lhs_hint = false} : vector<125x128xf32>, vector<128x128xf32>, vector<125x128xf32> -> vector<125x128xf32>
    %add3A = arith.addf %dot_general3A_9, %dot_general3A_46 : vector<125x128xf32>
    %jit3A_47 = arith.constant 8 : i32
    %div3A_48 = vector.broadcast %jit3A_47 : i32 to vector<128x128xi32>
    %div3A_49 = arith.divsi %iota3A, %div3A_48 : vector<128x128xi32>
    %sign3A_50 = arith.constant 0 : i32
    %sign3A_51 = vector.broadcast %sign3A_50 : i32 to vector<128x128xi32>
    %sign3A_52 = arith.cmpi sgt, %iota3A, %sign3A_51 : vector<128x128xi32>
    %sign3A_53 = arith.extui %sign3A_52 : vector<128x128xi1> to vector<128x128xi32>
    %sign3A_54 = arith.constant 0 : i32
    %sign3A_55 = vector.broadcast %sign3A_54 : i32 to vector<128x128xi32>
    %sign3A_56 = arith.cmpi slt, %iota3A, %sign3A_55 : vector<128x128xi32>
    %sign3A_57 = arith.extui %sign3A_56 : vector<128x128xi1> to vector<128x128xi32>
    %sign3A_58 = arith.subi %sign3A_53, %sign3A_57 : vector<128x128xi32>
    %sign3A_59 = arith.constant 0 : i32
    %sign3A_60 = arith.cmpi sgt, %jit3A_47, %sign3A_59 : i32
    %sign3A_61 = arith.extui %sign3A_60 : i1 to i32
    %sign3A_62 = arith.constant 0 : i32
    %sign3A_63 = arith.cmpi slt, %jit3A_47, %sign3A_62 : i32
    %sign3A_64 = arith.extui %sign3A_63 : i1 to i32
    %sign3A_65 = arith.subi %sign3A_61, %sign3A_64 : i32
    %ne3A_66 = vector.broadcast %sign3A_65 : i32 to vector<128x128xi32>
    %ne3A_67 = arith.cmpi ne, %sign3A_58, %ne3A_66 : vector<128x128xi32>
    %rem3A_68 = vector.broadcast %jit3A_47 : i32 to vector<128x128xi32>
    %rem3A_69 = arith.remsi %iota3A, %rem3A_68 : vector<128x128xi32>
    %ne3A_70 = arith.constant 0 : i32
    %ne3A_71 = vector.broadcast %ne3A_70 : i32 to vector<128x128xi32>
    %ne3A_72 = arith.cmpi ne, %rem3A_69, %ne3A_71 : vector<128x128xi32>
    %and3A_73 = arith.andi %ne3A_67, %ne3A_72 : vector<128x128xi1>
    %sub3A_74 = arith.constant 1 : i32
    %sub3A_75 = vector.broadcast %sub3A_74 : i32 to vector<128x128xi32>
    %sub3A_76 = arith.subi %div3A_49, %sub3A_75 : vector<128x128xi32>
    %select_n3A_77 = arith.select %and3A_73, %sub3A_76, %div3A_49 : vector<128x128xi1>, vector<128x128xi32>
    %eq3A_78 = arith.constant 2 : i32
    %eq3A_79 = vector.broadcast %eq3A_78 : i32 to vector<128x128xi32>
    %eq3A_80 = arith.cmpi eq, %select_n3A_77, %eq3A_79 : vector<128x128xi32>
    %jit3A_81 = arith.constant 0.000000e+00 : f32
    %broadcast_in_dim3A_82 = vector.broadcast %jit3A_81 : f32 to vector<128x128xf32>
    %select_n3A_83 = arith.select %eq3A_80, %get3A_1, %broadcast_in_dim3A_82 : vector<128x128xi1>, vector<128x128xf32>
    %get3A_84 = arith.constant 0 : index
    %get3A_85 = arith.constant 2 : index
    %get3A_86 = arith.constant 0 : index
    %get3A_87 = vector.load %arg1[%get3A_84, %get3A_85, %get3A_86] : memref<125x16x128xf32, #tpu.memory_space<vmem>>, vector<125x1x128xf32>
    %get3A_88 = vector.shape_cast %get3A_87 : vector<125x1x128xf32> to vector<125x128xf32>
    %dot_general3A_89 = arith.constant dense<0.000000e+00> : vector<125x128xf32>
    %dot_general3A_90 = tpu.matmul %get3A_88, %select_n3A_83, %dot_general3A_89 {dimension_numbers = #tpu.dot_dimension_numbers<[1], [0], [0], [1], [0, 0, 1, 1], [], []>, transpose_lhs_hint = false} : vector<125x128xf32>, vector<128x128xf32>, vector<125x128xf32> -> vector<125x128xf32>
    %add3A_91 = arith.addf %add3A, %dot_general3A_90 : vector<125x128xf32>
    %jit3A_92 = arith.constant 8 : i32
    %div3A_93 = vector.broadcast %jit3A_92 : i32 to vector<128x128xi32>
    %div3A_94 = arith.divsi %iota3A, %div3A_93 : vector<128x128xi32>
    %sign3A_95 = arith.constant 0 : i32
    %sign3A_96 = vector.broadcast %sign3A_95 : i32 to vector<128x128xi32>
    %sign3A_97 = arith.cmpi sgt, %iota3A, %sign3A_96 : vector<128x128xi32>
    %sign3A_98 = arith.extui %sign3A_97 : vector<128x128xi1> to vector<128x128xi32>
    %sign3A_99 = arith.constant 0 : i32
    %sign3A_100 = vector.broadcast %sign3A_99 : i32 to vector<128x128xi32>
    %sign3A_101 = arith.cmpi slt, %iota3A, %sign3A_100 : vector<128x128xi32>
    %sign3A_102 = arith.extui %sign3A_101 : vector<128x128xi1> to vector<128x128xi32>
    %sign3A_103 = arith.subi %sign3A_98, %sign3A_102 : vector<128x128xi32>
    %sign3A_104 = arith.constant 0 : i32
    %sign3A_105 = arith.cmpi sgt, %jit3A_92, %sign3A_104 : i32
    %sign3A_106 = arith.extui %sign3A_105 : i1 to i32
    %sign3A_107 = arith.constant 0 : i32
    %sign3A_108 = arith.cmpi slt, %jit3A_92, %sign3A_107 : i32
    %sign3A_109 = arith.extui %sign3A_108 : i1 to i32
    %sign3A_110 = arith.subi %sign3A_106, %sign3A_109 : i32
    %ne3A_111 = vector.broadcast %sign3A_110 : i32 to vector<128x128xi32>
    %ne3A_112 = arith.cmpi ne, %sign3A_103, %ne3A_111 : vector<128x128xi32>
    %rem3A_113 = vector.broadcast %jit3A_92 : i32 to vector<128x128xi32>
    %rem3A_114 = arith.remsi %iota3A, %rem3A_113 : vector<128x128xi32>
    %ne3A_115 = arith.constant 0 : i32
    %ne3A_116 = vector.broadcast %ne3A_115 : i32 to vector<128x128xi32>
    %ne3A_117 = arith.cmpi ne, %rem3A_114, %ne3A_116 : vector<128x128xi32>
    %and3A_118 = arith.andi %ne3A_112, %ne3A_117 : vector<128x128xi1>
    %sub3A_119 = arith.constant 1 : i32
    %sub3A_120 = vector.broadcast %sub3A_119 : i32 to vector<128x128xi32>
    %sub3A_121 = arith.subi %div3A_94, %sub3A_120 : vector<128x128xi32>
    %select_n3A_122 = arith.select %and3A_118, %sub3A_121, %div3A_94 : vector<128x128xi1>, vector<128x128xi32>
    %eq3A_123 = arith.constant 3 : i32
    %eq3A_124 = vector.broadcast %eq3A_123 : i32 to vector<128x128xi32>
    %eq3A_125 = arith.cmpi eq, %select_n3A_122, %eq3A_124 : vector<128x128xi32>
    %jit3A_126 = arith.constant 0.000000e+00 : f32
    %broadcast_in_dim3A_127 = vector.broadcast %jit3A_126 : f32 to vector<128x128xf32>
    %select_n3A_128 = arith.select %eq3A_125, %get3A_1, %broadcast_in_dim3A_127 : vector<128x128xi1>, vector<128x128xf32>
    %get3A_129 = arith.constant 0 : index
    %get3A_130 = arith.constant 3 : index
    %get3A_131 = arith.constant 0 : index
    %get3A_132 = vector.load %arg1[%get3A_129, %get3A_130, %get3A_131] : memref<125x16x128xf32, #tpu.memory_space<vmem>>, vector<125x1x128xf32>
    %get3A_133 = vector.shape_cast %get3A_132 : vector<125x1x128xf32> to vector<125x128xf32>
    %dot_general3A_134 = arith.constant dense<0.000000e+00> : vector<125x128xf32>
    %dot_general3A_135 = tpu.matmul %get3A_133, %select_n3A_128, %dot_general3A_134 {dimension_numbers = #tpu.dot_dimension_numbers<[1], [0], [0], [1], [0, 0, 1, 1], [], []>, transpose_lhs_hint = false} : vector<125x128xf32>, vector<128x128xf32>, vector<125x128xf32> -> vector<125x128xf32>
    %add3A_136 = arith.addf %add3A_91, %dot_general3A_135 : vector<125x128xf32>
    %jit3A_137 = arith.constant 8 : i32
    %div3A_138 = vector.broadcast %jit3A_137 : i32 to vector<128x128xi32>
    %div3A_139 = arith.divsi %iota3A, %div3A_138 : vector<128x128xi32>
    %sign3A_140 = arith.constant 0 : i32
    %sign3A_141 = vector.broadcast %sign3A_140 : i32 to vector<128x128xi32>
    %sign3A_142 = arith.cmpi sgt, %iota3A, %sign3A_141 : vector<128x128xi32>
    %sign3A_143 = arith.extui %sign3A_142 : vector<128x128xi1> to vector<128x128xi32>
    %sign3A_144 = arith.constant 0 : i32
    %sign3A_145 = vector.broadcast %sign3A_144 : i32 to vector<128x128xi32>
    %sign3A_146 = arith.cmpi slt, %iota3A, %sign3A_145 : vector<128x128xi32>
    %sign3A_147 = arith.extui %sign3A_146 : vector<128x128xi1> to vector<128x128xi32>
    %sign3A_148 = arith.subi %sign3A_143, %sign3A_147 : vector<128x128xi32>
    %sign3A_149 = arith.constant 0 : i32
    %sign3A_150 = arith.cmpi sgt, %jit3A_137, %sign3A_149 : i32
    %sign3A_151 = arith.extui %sign3A_150 : i1 to i32
    %sign3A_152 = arith.constant 0 : i32
    %sign3A_153 = arith.cmpi slt, %jit3A_137, %sign3A_152 : i32
    %sign3A_154 = arith.extui %sign3A_153 : i1 to i32
    %sign3A_155 = arith.subi %sign3A_151, %sign3A_154 : i32
    %ne3A_156 = vector.broadcast %sign3A_155 : i32 to vector<128x128xi32>
    %ne3A_157 = arith.cmpi ne, %sign3A_148, %ne3A_156 : vector<128x128xi32>
    %rem3A_158 = vector.broadcast %jit3A_137 : i32 to vector<128x128xi32>
    %rem3A_159 = arith.remsi %iota3A, %rem3A_158 : vector<128x128xi32>
    %ne3A_160 = arith.constant 0 : i32
    %ne3A_161 = vector.broadcast %ne3A_160 : i32 to vector<128x128xi32>
    %ne3A_162 = arith.cmpi ne, %rem3A_159, %ne3A_161 : vector<128x128xi32>
    %and3A_163 = arith.andi %ne3A_157, %ne3A_162 : vector<128x128xi1>
    %sub3A_164 = arith.constant 1 : i32
    %sub3A_165 = vector.broadcast %sub3A_164 : i32 to vector<128x128xi32>
    %sub3A_166 = arith.subi %div3A_139, %sub3A_165 : vector<128x128xi32>
    %select_n3A_167 = arith.select %and3A_163, %sub3A_166, %div3A_139 : vector<128x128xi1>, vector<128x128xi32>
    %eq3A_168 = arith.constant 4 : i32
    %eq3A_169 = vector.broadcast %eq3A_168 : i32 to vector<128x128xi32>
    %eq3A_170 = arith.cmpi eq, %select_n3A_167, %eq3A_169 : vector<128x128xi32>
    %jit3A_171 = arith.constant 0.000000e+00 : f32
    %broadcast_in_dim3A_172 = vector.broadcast %jit3A_171 : f32 to vector<128x128xf32>
    %select_n3A_173 = arith.select %eq3A_170, %get3A_1, %broadcast_in_dim3A_172 : vector<128x128xi1>, vector<128x128xf32>
    %get3A_174 = arith.constant 0 : index
    %get3A_175 = arith.constant 4 : index
    %get3A_176 = arith.constant 0 : index
    %get3A_177 = vector.load %arg1[%get3A_174, %get3A_175, %get3A_176] : memref<125x16x128xf32, #tpu.memory_space<vmem>>, vector<125x1x128xf32>
    %get3A_178 = vector.shape_cast %get3A_177 : vector<125x1x128xf32> to vector<125x128xf32>
    %dot_general3A_179 = arith.constant dense<0.000000e+00> : vector<125x128xf32>
    %dot_general3A_180 = tpu.matmul %get3A_178, %select_n3A_173, %dot_general3A_179 {dimension_numbers = #tpu.dot_dimension_numbers<[1], [0], [0], [1], [0, 0, 1, 1], [], []>, transpose_lhs_hint = false} : vector<125x128xf32>, vector<128x128xf32>, vector<125x128xf32> -> vector<125x128xf32>
    %add3A_181 = arith.addf %add3A_136, %dot_general3A_180 : vector<125x128xf32>
    %jit3A_182 = arith.constant 8 : i32
    %div3A_183 = vector.broadcast %jit3A_182 : i32 to vector<128x128xi32>
    %div3A_184 = arith.divsi %iota3A, %div3A_183 : vector<128x128xi32>
    %sign3A_185 = arith.constant 0 : i32
    %sign3A_186 = vector.broadcast %sign3A_185 : i32 to vector<128x128xi32>
    %sign3A_187 = arith.cmpi sgt, %iota3A, %sign3A_186 : vector<128x128xi32>
    %sign3A_188 = arith.extui %sign3A_187 : vector<128x128xi1> to vector<128x128xi32>
    %sign3A_189 = arith.constant 0 : i32
    %sign3A_190 = vector.broadcast %sign3A_189 : i32 to vector<128x128xi32>
    %sign3A_191 = arith.cmpi slt, %iota3A, %sign3A_190 : vector<128x128xi32>
    %sign3A_192 = arith.extui %sign3A_191 : vector<128x128xi1> to vector<128x128xi32>
    %sign3A_193 = arith.subi %sign3A_188, %sign3A_192 : vector<128x128xi32>
    %sign3A_194 = arith.constant 0 : i32
    %sign3A_195 = arith.cmpi sgt, %jit3A_182, %sign3A_194 : i32
    %sign3A_196 = arith.extui %sign3A_195 : i1 to i32
    %sign3A_197 = arith.constant 0 : i32
    %sign3A_198 = arith.cmpi slt, %jit3A_182, %sign3A_197 : i32
    %sign3A_199 = arith.extui %sign3A_198 : i1 to i32
    %sign3A_200 = arith.subi %sign3A_196, %sign3A_199 : i32
    %ne3A_201 = vector.broadcast %sign3A_200 : i32 to vector<128x128xi32>
    %ne3A_202 = arith.cmpi ne, %sign3A_193, %ne3A_201 : vector<128x128xi32>
    %rem3A_203 = vector.broadcast %jit3A_182 : i32 to vector<128x128xi32>
    %rem3A_204 = arith.remsi %iota3A, %rem3A_203 : vector<128x128xi32>
    %ne3A_205 = arith.constant 0 : i32
    %ne3A_206 = vector.broadcast %ne3A_205 : i32 to vector<128x128xi32>
    %ne3A_207 = arith.cmpi ne, %rem3A_204, %ne3A_206 : vector<128x128xi32>
    %and3A_208 = arith.andi %ne3A_202, %ne3A_207 : vector<128x128xi1>
    %sub3A_209 = arith.constant 1 : i32
    %sub3A_210 = vector.broadcast %sub3A_209 : i32 to vector<128x128xi32>
    %sub3A_211 = arith.subi %div3A_184, %sub3A_210 : vector<128x128xi32>
    %select_n3A_212 = arith.select %and3A_208, %sub3A_211, %div3A_184 : vector<128x128xi1>, vector<128x128xi32>
    %eq3A_213 = arith.constant 5 : i32
    %eq3A_214 = vector.broadcast %eq3A_213 : i32 to vector<128x128xi32>
    %eq3A_215 = arith.cmpi eq, %select_n3A_212, %eq3A_214 : vector<128x128xi32>
    %jit3A_216 = arith.constant 0.000000e+00 : f32
    %broadcast_in_dim3A_217 = vector.broadcast %jit3A_216 : f32 to vector<128x128xf32>
    %select_n3A_218 = arith.select %eq3A_215, %get3A_1, %broadcast_in_dim3A_217 : vector<128x128xi1>, vector<128x128xf32>
    %get3A_219 = arith.constant 0 : index
    %get3A_220 = arith.constant 5 : index
    %get3A_221 = arith.constant 0 : index
    %get3A_222 = vector.load %arg1[%get3A_219, %get3A_220, %get3A_221] : memref<125x16x128xf32, #tpu.memory_space<vmem>>, vector<125x1x128xf32>
    %get3A_223 = vector.shape_cast %get3A_222 : vector<125x1x128xf32> to vector<125x128xf32>
    %dot_general3A_224 = arith.constant dense<0.000000e+00> : vector<125x128xf32>
    %dot_general3A_225 = tpu.matmul %get3A_223, %select_n3A_218, %dot_general3A_224 {dimension_numbers = #tpu.dot_dimension_numbers<[1], [0], [0], [1], [0, 0, 1, 1], [], []>, transpose_lhs_hint = false} : vector<125x128xf32>, vector<128x128xf32>, vector<125x128xf32> -> vector<125x128xf32>
    %add3A_226 = arith.addf %add3A_181, %dot_general3A_225 : vector<125x128xf32>
    %jit3A_227 = arith.constant 8 : i32
    %div3A_228 = vector.broadcast %jit3A_227 : i32 to vector<128x128xi32>
    %div3A_229 = arith.divsi %iota3A, %div3A_228 : vector<128x128xi32>
    %sign3A_230 = arith.constant 0 : i32
    %sign3A_231 = vector.broadcast %sign3A_230 : i32 to vector<128x128xi32>
    %sign3A_232 = arith.cmpi sgt, %iota3A, %sign3A_231 : vector<128x128xi32>
    %sign3A_233 = arith.extui %sign3A_232 : vector<128x128xi1> to vector<128x128xi32>
    %sign3A_234 = arith.constant 0 : i32
    %sign3A_235 = vector.broadcast %sign3A_234 : i32 to vector<128x128xi32>
    %sign3A_236 = arith.cmpi slt, %iota3A, %sign3A_235 : vector<128x128xi32>
    %sign3A_237 = arith.extui %sign3A_236 : vector<128x128xi1> to vector<128x128xi32>
    %sign3A_238 = arith.subi %sign3A_233, %sign3A_237 : vector<128x128xi32>
    %sign3A_239 = arith.constant 0 : i32
    %sign3A_240 = arith.cmpi sgt, %jit3A_227, %sign3A_239 : i32
    %sign3A_241 = arith.extui %sign3A_240 : i1 to i32
    %sign3A_242 = arith.constant 0 : i32
    %sign3A_243 = arith.cmpi slt, %jit3A_227, %sign3A_242 : i32
    %sign3A_244 = arith.extui %sign3A_243 : i1 to i32
    %sign3A_245 = arith.subi %sign3A_241, %sign3A_244 : i32
    %ne3A_246 = vector.broadcast %sign3A_245 : i32 to vector<128x128xi32>
    %ne3A_247 = arith.cmpi ne, %sign3A_238, %ne3A_246 : vector<128x128xi32>
    %rem3A_248 = vector.broadcast %jit3A_227 : i32 to vector<128x128xi32>
    %rem3A_249 = arith.remsi %iota3A, %rem3A_248 : vector<128x128xi32>
    %ne3A_250 = arith.constant 0 : i32
    %ne3A_251 = vector.broadcast %ne3A_250 : i32 to vector<128x128xi32>
    %ne3A_252 = arith.cmpi ne, %rem3A_249, %ne3A_251 : vector<128x128xi32>
    %and3A_253 = arith.andi %ne3A_247, %ne3A_252 : vector<128x128xi1>
    %sub3A_254 = arith.constant 1 : i32
    %sub3A_255 = vector.broadcast %sub3A_254 : i32 to vector<128x128xi32>
    %sub3A_256 = arith.subi %div3A_229, %sub3A_255 : vector<128x128xi32>
    %select_n3A_257 = arith.select %and3A_253, %sub3A_256, %div3A_229 : vector<128x128xi1>, vector<128x128xi32>
    %eq3A_258 = arith.constant 6 : i32
    %eq3A_259 = vector.broadcast %eq3A_258 : i32 to vector<128x128xi32>
    %eq3A_260 = arith.cmpi eq, %select_n3A_257, %eq3A_259 : vector<128x128xi32>
    %jit3A_261 = arith.constant 0.000000e+00 : f32
    %broadcast_in_dim3A_262 = vector.broadcast %jit3A_261 : f32 to vector<128x128xf32>
    %select_n3A_263 = arith.select %eq3A_260, %get3A_1, %broadcast_in_dim3A_262 : vector<128x128xi1>, vector<128x128xf32>
    %get3A_264 = arith.constant 0 : index
    %get3A_265 = arith.constant 6 : index
    %get3A_266 = arith.constant 0 : index
    %get3A_267 = vector.load %arg1[%get3A_264, %get3A_265, %get3A_266] : memref<125x16x128xf32, #tpu.memory_space<vmem>>, vector<125x1x128xf32>
    %get3A_268 = vector.shape_cast %get3A_267 : vector<125x1x128xf32> to vector<125x128xf32>
    %dot_general3A_269 = arith.constant dense<0.000000e+00> : vector<125x128xf32>
    %dot_general3A_270 = tpu.matmul %get3A_268, %select_n3A_263, %dot_general3A_269 {dimension_numbers = #tpu.dot_dimension_numbers<[1], [0], [0], [1], [0, 0, 1, 1], [], []>, transpose_lhs_hint = false} : vector<125x128xf32>, vector<128x128xf32>, vector<125x128xf32> -> vector<125x128xf32>
    %add3A_271 = arith.addf %add3A_226, %dot_general3A_270 : vector<125x128xf32>
    %jit3A_272 = arith.constant 8 : i32
    %div3A_273 = vector.broadcast %jit3A_272 : i32 to vector<128x128xi32>
    %div3A_274 = arith.divsi %iota3A, %div3A_273 : vector<128x128xi32>
    %sign3A_275 = arith.constant 0 : i32
    %sign3A_276 = vector.broadcast %sign3A_275 : i32 to vector<128x128xi32>
    %sign3A_277 = arith.cmpi sgt, %iota3A, %sign3A_276 : vector<128x128xi32>
    %sign3A_278 = arith.extui %sign3A_277 : vector<128x128xi1> to vector<128x128xi32>
    %sign3A_279 = arith.constant 0 : i32
    %sign3A_280 = vector.broadcast %sign3A_279 : i32 to vector<128x128xi32>
    %sign3A_281 = arith.cmpi slt, %iota3A, %sign3A_280 : vector<128x128xi32>
    %sign3A_282 = arith.extui %sign3A_281 : vector<128x128xi1> to vector<128x128xi32>
    %sign3A_283 = arith.subi %sign3A_278, %sign3A_282 : vector<128x128xi32>
    %sign3A_284 = arith.constant 0 : i32
    %sign3A_285 = arith.cmpi sgt, %jit3A_272, %sign3A_284 : i32
    %sign3A_286 = arith.extui %sign3A_285 : i1 to i32
    %sign3A_287 = arith.constant 0 : i32
    %sign3A_288 = arith.cmpi slt, %jit3A_272, %sign3A_287 : i32
    %sign3A_289 = arith.extui %sign3A_288 : i1 to i32
    %sign3A_290 = arith.subi %sign3A_286, %sign3A_289 : i32
    %ne3A_291 = vector.broadcast %sign3A_290 : i32 to vector<128x128xi32>
    %ne3A_292 = arith.cmpi ne, %sign3A_283, %ne3A_291 : vector<128x128xi32>
    %rem3A_293 = vector.broadcast %jit3A_272 : i32 to vector<128x128xi32>
    %rem3A_294 = arith.remsi %iota3A, %rem3A_293 : vector<128x128xi32>
    %ne3A_295 = arith.constant 0 : i32
    %ne3A_296 = vector.broadcast %ne3A_295 : i32 to vector<128x128xi32>
    %ne3A_297 = arith.cmpi ne, %rem3A_294, %ne3A_296 : vector<128x128xi32>
    %and3A_298 = arith.andi %ne3A_292, %ne3A_297 : vector<128x128xi1>
    %sub3A_299 = arith.constant 1 : i32
    %sub3A_300 = vector.broadcast %sub3A_299 : i32 to vector<128x128xi32>
    %sub3A_301 = arith.subi %div3A_274, %sub3A_300 : vector<128x128xi32>
    %select_n3A_302 = arith.select %and3A_298, %sub3A_301, %div3A_274 : vector<128x128xi1>, vector<128x128xi32>
    %eq3A_303 = arith.constant 7 : i32
    %eq3A_304 = vector.broadcast %eq3A_303 : i32 to vector<128x128xi32>
    %eq3A_305 = arith.cmpi eq, %select_n3A_302, %eq3A_304 : vector<128x128xi32>
    %jit3A_306 = arith.constant 0.000000e+00 : f32
    %broadcast_in_dim3A_307 = vector.broadcast %jit3A_306 : f32 to vector<128x128xf32>
    %select_n3A_308 = arith.select %eq3A_305, %get3A_1, %broadcast_in_dim3A_307 : vector<128x128xi1>, vector<128x128xf32>
    %get3A_309 = arith.constant 0 : index
    %get3A_310 = arith.constant 7 : index
    %get3A_311 = arith.constant 0 : index
    %get3A_312 = vector.load %arg1[%get3A_309, %get3A_310, %get3A_311] : memref<125x16x128xf32, #tpu.memory_space<vmem>>, vector<125x1x128xf32>
    %get3A_313 = vector.shape_cast %get3A_312 : vector<125x1x128xf32> to vector<125x128xf32>
    %dot_general3A_314 = arith.constant dense<0.000000e+00> : vector<125x128xf32>
    %dot_general3A_315 = tpu.matmul %get3A_313, %select_n3A_308, %dot_general3A_314 {dimension_numbers = #tpu.dot_dimension_numbers<[1], [0], [0], [1], [0, 0, 1, 1], [], []>, transpose_lhs_hint = false} : vector<125x128xf32>, vector<128x128xf32>, vector<125x128xf32> -> vector<125x128xf32>
    %add3A_316 = arith.addf %add3A_271, %dot_general3A_315 : vector<125x128xf32>
    %jit3A_317 = arith.constant 8 : i32
    %div3A_318 = vector.broadcast %jit3A_317 : i32 to vector<128x128xi32>
    %div3A_319 = arith.divsi %iota3A, %div3A_318 : vector<128x128xi32>
    %sign3A_320 = arith.constant 0 : i32
    %sign3A_321 = vector.broadcast %sign3A_320 : i32 to vector<128x128xi32>
    %sign3A_322 = arith.cmpi sgt, %iota3A, %sign3A_321 : vector<128x128xi32>
    %sign3A_323 = arith.extui %sign3A_322 : vector<128x128xi1> to vector<128x128xi32>
    %sign3A_324 = arith.constant 0 : i32
    %sign3A_325 = vector.broadcast %sign3A_324 : i32 to vector<128x128xi32>
    %sign3A_326 = arith.cmpi slt, %iota3A, %sign3A_325 : vector<128x128xi32>
    %sign3A_327 = arith.extui %sign3A_326 : vector<128x128xi1> to vector<128x128xi32>
    %sign3A_328 = arith.subi %sign3A_323, %sign3A_327 : vector<128x128xi32>
    %sign3A_329 = arith.constant 0 : i32
    %sign3A_330 = arith.cmpi sgt, %jit3A_317, %sign3A_329 : i32
    %sign3A_331 = arith.extui %sign3A_330 : i1 to i32
    %sign3A_332 = arith.constant 0 : i32
    %sign3A_333 = arith.cmpi slt, %jit3A_317, %sign3A_332 : i32
    %sign3A_334 = arith.extui %sign3A_333 : i1 to i32
    %sign3A_335 = arith.subi %sign3A_331, %sign3A_334 : i32
    %ne3A_336 = vector.broadcast %sign3A_335 : i32 to vector<128x128xi32>
    %ne3A_337 = arith.cmpi ne, %sign3A_328, %ne3A_336 : vector<128x128xi32>
    %rem3A_338 = vector.broadcast %jit3A_317 : i32 to vector<128x128xi32>
    %rem3A_339 = arith.remsi %iota3A, %rem3A_338 : vector<128x128xi32>
    %ne3A_340 = arith.constant 0 : i32
    %ne3A_341 = vector.broadcast %ne3A_340 : i32 to vector<128x128xi32>
    %ne3A_342 = arith.cmpi ne, %rem3A_339, %ne3A_341 : vector<128x128xi32>
    %and3A_343 = arith.andi %ne3A_337, %ne3A_342 : vector<128x128xi1>
    %sub3A_344 = arith.constant 1 : i32
    %sub3A_345 = vector.broadcast %sub3A_344 : i32 to vector<128x128xi32>
    %sub3A_346 = arith.subi %div3A_319, %sub3A_345 : vector<128x128xi32>
    %select_n3A_347 = arith.select %and3A_343, %sub3A_346, %div3A_319 : vector<128x128xi1>, vector<128x128xi32>
    %eq3A_348 = arith.constant 8 : i32
    %eq3A_349 = vector.broadcast %eq3A_348 : i32 to vector<128x128xi32>
    %eq3A_350 = arith.cmpi eq, %select_n3A_347, %eq3A_349 : vector<128x128xi32>
    %jit3A_351 = arith.constant 0.000000e+00 : f32
    %broadcast_in_dim3A_352 = vector.broadcast %jit3A_351 : f32 to vector<128x128xf32>
    %select_n3A_353 = arith.select %eq3A_350, %get3A_1, %broadcast_in_dim3A_352 : vector<128x128xi1>, vector<128x128xf32>
    %get3A_354 = arith.constant 0 : index
    %get3A_355 = arith.constant 8 : index
    %get3A_356 = arith.constant 0 : index
    %get3A_357 = vector.load %arg1[%get3A_354, %get3A_355, %get3A_356] : memref<125x16x128xf32, #tpu.memory_space<vmem>>, vector<125x1x128xf32>
    %get3A_358 = vector.shape_cast %get3A_357 : vector<125x1x128xf32> to vector<125x128xf32>
    %dot_general3A_359 = arith.constant dense<0.000000e+00> : vector<125x128xf32>
    %dot_general3A_360 = tpu.matmul %get3A_358, %select_n3A_353, %dot_general3A_359 {dimension_numbers = #tpu.dot_dimension_numbers<[1], [0], [0], [1], [0, 0, 1, 1], [], []>, transpose_lhs_hint = false} : vector<125x128xf32>, vector<128x128xf32>, vector<125x128xf32> -> vector<125x128xf32>
    %add3A_361 = arith.addf %add3A_316, %dot_general3A_360 : vector<125x128xf32>
    %jit3A_362 = arith.constant 8 : i32
    %div3A_363 = vector.broadcast %jit3A_362 : i32 to vector<128x128xi32>
    %div3A_364 = arith.divsi %iota3A, %div3A_363 : vector<128x128xi32>
    %sign3A_365 = arith.constant 0 : i32
    %sign3A_366 = vector.broadcast %sign3A_365 : i32 to vector<128x128xi32>
    %sign3A_367 = arith.cmpi sgt, %iota3A, %sign3A_366 : vector<128x128xi32>
    %sign3A_368 = arith.extui %sign3A_367 : vector<128x128xi1> to vector<128x128xi32>
    %sign3A_369 = arith.constant 0 : i32
    %sign3A_370 = vector.broadcast %sign3A_369 : i32 to vector<128x128xi32>
    %sign3A_371 = arith.cmpi slt, %iota3A, %sign3A_370 : vector<128x128xi32>
    %sign3A_372 = arith.extui %sign3A_371 : vector<128x128xi1> to vector<128x128xi32>
    %sign3A_373 = arith.subi %sign3A_368, %sign3A_372 : vector<128x128xi32>
    %sign3A_374 = arith.constant 0 : i32
    %sign3A_375 = arith.cmpi sgt, %jit3A_362, %sign3A_374 : i32
    %sign3A_376 = arith.extui %sign3A_375 : i1 to i32
    %sign3A_377 = arith.constant 0 : i32
    %sign3A_378 = arith.cmpi slt, %jit3A_362, %sign3A_377 : i32
    %sign3A_379 = arith.extui %sign3A_378 : i1 to i32
    %sign3A_380 = arith.subi %sign3A_376, %sign3A_379 : i32
    %ne3A_381 = vector.broadcast %sign3A_380 : i32 to vector<128x128xi32>
    %ne3A_382 = arith.cmpi ne, %sign3A_373, %ne3A_381 : vector<128x128xi32>
    %rem3A_383 = vector.broadcast %jit3A_362 : i32 to vector<128x128xi32>
    %rem3A_384 = arith.remsi %iota3A, %rem3A_383 : vector<128x128xi32>
    %ne3A_385 = arith.constant 0 : i32
    %ne3A_386 = vector.broadcast %ne3A_385 : i32 to vector<128x128xi32>
    %ne3A_387 = arith.cmpi ne, %rem3A_384, %ne3A_386 : vector<128x128xi32>
    %and3A_388 = arith.andi %ne3A_382, %ne3A_387 : vector<128x128xi1>
    %sub3A_389 = arith.constant 1 : i32
    %sub3A_390 = vector.broadcast %sub3A_389 : i32 to vector<128x128xi32>
    %sub3A_391 = arith.subi %div3A_364, %sub3A_390 : vector<128x128xi32>
    %select_n3A_392 = arith.select %and3A_388, %sub3A_391, %div3A_364 : vector<128x128xi1>, vector<128x128xi32>
    %eq3A_393 = arith.constant 9 : i32
    %eq3A_394 = vector.broadcast %eq3A_393 : i32 to vector<128x128xi32>
    %eq3A_395 = arith.cmpi eq, %select_n3A_392, %eq3A_394 : vector<128x128xi32>
    %jit3A_396 = arith.constant 0.000000e+00 : f32
    %broadcast_in_dim3A_397 = vector.broadcast %jit3A_396 : f32 to vector<128x128xf32>
    %select_n3A_398 = arith.select %eq3A_395, %get3A_1, %broadcast_in_dim3A_397 : vector<128x128xi1>, vector<128x128xf32>
    %get3A_399 = arith.constant 0 : index
    %get3A_400 = arith.constant 9 : index
    %get3A_401 = arith.constant 0 : index
    %get3A_402 = vector.load %arg1[%get3A_399, %get3A_400, %get3A_401] : memref<125x16x128xf32, #tpu.memory_space<vmem>>, vector<125x1x128xf32>
    %get3A_403 = vector.shape_cast %get3A_402 : vector<125x1x128xf32> to vector<125x128xf32>
    %dot_general3A_404 = arith.constant dense<0.000000e+00> : vector<125x128xf32>
    %dot_general3A_405 = tpu.matmul %get3A_403, %select_n3A_398, %dot_general3A_404 {dimension_numbers = #tpu.dot_dimension_numbers<[1], [0], [0], [1], [0, 0, 1, 1], [], []>, transpose_lhs_hint = false} : vector<125x128xf32>, vector<128x128xf32>, vector<125x128xf32> -> vector<125x128xf32>
    %add3A_406 = arith.addf %add3A_361, %dot_general3A_405 : vector<125x128xf32>
    %jit3A_407 = arith.constant 8 : i32
    %div3A_408 = vector.broadcast %jit3A_407 : i32 to vector<128x128xi32>
    %div3A_409 = arith.divsi %iota3A, %div3A_408 : vector<128x128xi32>
    %sign3A_410 = arith.constant 0 : i32
    %sign3A_411 = vector.broadcast %sign3A_410 : i32 to vector<128x128xi32>
    %sign3A_412 = arith.cmpi sgt, %iota3A, %sign3A_411 : vector<128x128xi32>
    %sign3A_413 = arith.extui %sign3A_412 : vector<128x128xi1> to vector<128x128xi32>
    %sign3A_414 = arith.constant 0 : i32
    %sign3A_415 = vector.broadcast %sign3A_414 : i32 to vector<128x128xi32>
    %sign3A_416 = arith.cmpi slt, %iota3A, %sign3A_415 : vector<128x128xi32>
    %sign3A_417 = arith.extui %sign3A_416 : vector<128x128xi1> to vector<128x128xi32>
    %sign3A_418 = arith.subi %sign3A_413, %sign3A_417 : vector<128x128xi32>
    %sign3A_419 = arith.constant 0 : i32
    %sign3A_420 = arith.cmpi sgt, %jit3A_407, %sign3A_419 : i32
    %sign3A_421 = arith.extui %sign3A_420 : i1 to i32
    %sign3A_422 = arith.constant 0 : i32
    %sign3A_423 = arith.cmpi slt, %jit3A_407, %sign3A_422 : i32
    %sign3A_424 = arith.extui %sign3A_423 : i1 to i32
    %sign3A_425 = arith.subi %sign3A_421, %sign3A_424 : i32
    %ne3A_426 = vector.broadcast %sign3A_425 : i32 to vector<128x128xi32>
    %ne3A_427 = arith.cmpi ne, %sign3A_418, %ne3A_426 : vector<128x128xi32>
    %rem3A_428 = vector.broadcast %jit3A_407 : i32 to vector<128x128xi32>
    %rem3A_429 = arith.remsi %iota3A, %rem3A_428 : vector<128x128xi32>
    %ne3A_430 = arith.constant 0 : i32
    %ne3A_431 = vector.broadcast %ne3A_430 : i32 to vector<128x128xi32>
    %ne3A_432 = arith.cmpi ne, %rem3A_429, %ne3A_431 : vector<128x128xi32>
    %and3A_433 = arith.andi %ne3A_427, %ne3A_432 : vector<128x128xi1>
    %sub3A_434 = arith.constant 1 : i32
    %sub3A_435 = vector.broadcast %sub3A_434 : i32 to vector<128x128xi32>
    %sub3A_436 = arith.subi %div3A_409, %sub3A_435 : vector<128x128xi32>
    %select_n3A_437 = arith.select %and3A_433, %sub3A_436, %div3A_409 : vector<128x128xi1>, vector<128x128xi32>
    %eq3A_438 = arith.constant 10 : i32
    %eq3A_439 = vector.broadcast %eq3A_438 : i32 to vector<128x128xi32>
    %eq3A_440 = arith.cmpi eq, %select_n3A_437, %eq3A_439 : vector<128x128xi32>
    %jit3A_441 = arith.constant 0.000000e+00 : f32
    %broadcast_in_dim3A_442 = vector.broadcast %jit3A_441 : f32 to vector<128x128xf32>
    %select_n3A_443 = arith.select %eq3A_440, %get3A_1, %broadcast_in_dim3A_442 : vector<128x128xi1>, vector<128x128xf32>
    %get3A_444 = arith.constant 0 : index
    %get3A_445 = arith.constant 10 : index
    %get3A_446 = arith.constant 0 : index
    %get3A_447 = vector.load %arg1[%get3A_444, %get3A_445, %get3A_446] : memref<125x16x128xf32, #tpu.memory_space<vmem>>, vector<125x1x128xf32>
    %get3A_448 = vector.shape_cast %get3A_447 : vector<125x1x128xf32> to vector<125x128xf32>
    %dot_general3A_449 = arith.constant dense<0.000000e+00> : vector<125x128xf32>
    %dot_general3A_450 = tpu.matmul %get3A_448, %select_n3A_443, %dot_general3A_449 {dimension_numbers = #tpu.dot_dimension_numbers<[1], [0], [0], [1], [0, 0, 1, 1], [], []>, transpose_lhs_hint = false} : vector<125x128xf32>, vector<128x128xf32>, vector<125x128xf32> -> vector<125x128xf32>
    %add3A_451 = arith.addf %add3A_406, %dot_general3A_450 : vector<125x128xf32>
    %jit3A_452 = arith.constant 8 : i32
    %div3A_453 = vector.broadcast %jit3A_452 : i32 to vector<128x128xi32>
    %div3A_454 = arith.divsi %iota3A, %div3A_453 : vector<128x128xi32>
    %sign3A_455 = arith.constant 0 : i32
    %sign3A_456 = vector.broadcast %sign3A_455 : i32 to vector<128x128xi32>
    %sign3A_457 = arith.cmpi sgt, %iota3A, %sign3A_456 : vector<128x128xi32>
    %sign3A_458 = arith.extui %sign3A_457 : vector<128x128xi1> to vector<128x128xi32>
    %sign3A_459 = arith.constant 0 : i32
    %sign3A_460 = vector.broadcast %sign3A_459 : i32 to vector<128x128xi32>
    %sign3A_461 = arith.cmpi slt, %iota3A, %sign3A_460 : vector<128x128xi32>
    %sign3A_462 = arith.extui %sign3A_461 : vector<128x128xi1> to vector<128x128xi32>
    %sign3A_463 = arith.subi %sign3A_458, %sign3A_462 : vector<128x128xi32>
    %sign3A_464 = arith.constant 0 : i32
    %sign3A_465 = arith.cmpi sgt, %jit3A_452, %sign3A_464 : i32
    %sign3A_466 = arith.extui %sign3A_465 : i1 to i32
    %sign3A_467 = arith.constant 0 : i32
    %sign3A_468 = arith.cmpi slt, %jit3A_452, %sign3A_467 : i32
    %sign3A_469 = arith.extui %sign3A_468 : i1 to i32
    %sign3A_470 = arith.subi %sign3A_466, %sign3A_469 : i32
    %ne3A_471 = vector.broadcast %sign3A_470 : i32 to vector<128x128xi32>
    %ne3A_472 = arith.cmpi ne, %sign3A_463, %ne3A_471 : vector<128x128xi32>
    %rem3A_473 = vector.broadcast %jit3A_452 : i32 to vector<128x128xi32>
    %rem3A_474 = arith.remsi %iota3A, %rem3A_473 : vector<128x128xi32>
    %ne3A_475 = arith.constant 0 : i32
    %ne3A_476 = vector.broadcast %ne3A_475 : i32 to vector<128x128xi32>
    %ne3A_477 = arith.cmpi ne, %rem3A_474, %ne3A_476 : vector<128x128xi32>
    %and3A_478 = arith.andi %ne3A_472, %ne3A_477 : vector<128x128xi1>
    %sub3A_479 = arith.constant 1 : i32
    %sub3A_480 = vector.broadcast %sub3A_479 : i32 to vector<128x128xi32>
    %sub3A_481 = arith.subi %div3A_454, %sub3A_480 : vector<128x128xi32>
    %select_n3A_482 = arith.select %and3A_478, %sub3A_481, %div3A_454 : vector<128x128xi1>, vector<128x128xi32>
    %eq3A_483 = arith.constant 11 : i32
    %eq3A_484 = vector.broadcast %eq3A_483 : i32 to vector<128x128xi32>
    %eq3A_485 = arith.cmpi eq, %select_n3A_482, %eq3A_484 : vector<128x128xi32>
    %jit3A_486 = arith.constant 0.000000e+00 : f32
    %broadcast_in_dim3A_487 = vector.broadcast %jit3A_486 : f32 to vector<128x128xf32>
    %select_n3A_488 = arith.select %eq3A_485, %get3A_1, %broadcast_in_dim3A_487 : vector<128x128xi1>, vector<128x128xf32>
    %get3A_489 = arith.constant 0 : index
    %get3A_490 = arith.constant 11 : index
    %get3A_491 = arith.constant 0 : index
    %get3A_492 = vector.load %arg1[%get3A_489, %get3A_490, %get3A_491] : memref<125x16x128xf32, #tpu.memory_space<vmem>>, vector<125x1x128xf32>
    %get3A_493 = vector.shape_cast %get3A_492 : vector<125x1x128xf32> to vector<125x128xf32>
    %dot_general3A_494 = arith.constant dense<0.000000e+00> : vector<125x128xf32>
    %dot_general3A_495 = tpu.matmul %get3A_493, %select_n3A_488, %dot_general3A_494 {dimension_numbers = #tpu.dot_dimension_numbers<[1], [0], [0], [1], [0, 0, 1, 1], [], []>, transpose_lhs_hint = false} : vector<125x128xf32>, vector<128x128xf32>, vector<125x128xf32> -> vector<125x128xf32>
    %add3A_496 = arith.addf %add3A_451, %dot_general3A_495 : vector<125x128xf32>
    %jit3A_497 = arith.constant 8 : i32
    %div3A_498 = vector.broadcast %jit3A_497 : i32 to vector<128x128xi32>
    %div3A_499 = arith.divsi %iota3A, %div3A_498 : vector<128x128xi32>
    %sign3A_500 = arith.constant 0 : i32
    %sign3A_501 = vector.broadcast %sign3A_500 : i32 to vector<128x128xi32>
    %sign3A_502 = arith.cmpi sgt, %iota3A, %sign3A_501 : vector<128x128xi32>
    %sign3A_503 = arith.extui %sign3A_502 : vector<128x128xi1> to vector<128x128xi32>
    %sign3A_504 = arith.constant 0 : i32
    %sign3A_505 = vector.broadcast %sign3A_504 : i32 to vector<128x128xi32>
    %sign3A_506 = arith.cmpi slt, %iota3A, %sign3A_505 : vector<128x128xi32>
    %sign3A_507 = arith.extui %sign3A_506 : vector<128x128xi1> to vector<128x128xi32>
    %sign3A_508 = arith.subi %sign3A_503, %sign3A_507 : vector<128x128xi32>
    %sign3A_509 = arith.constant 0 : i32
    %sign3A_510 = arith.cmpi sgt, %jit3A_497, %sign3A_509 : i32
    %sign3A_511 = arith.extui %sign3A_510 : i1 to i32
    %sign3A_512 = arith.constant 0 : i32
    %sign3A_513 = arith.cmpi slt, %jit3A_497, %sign3A_512 : i32
    %sign3A_514 = arith.extui %sign3A_513 : i1 to i32
    %sign3A_515 = arith.subi %sign3A_511, %sign3A_514 : i32
    %ne3A_516 = vector.broadcast %sign3A_515 : i32 to vector<128x128xi32>
    %ne3A_517 = arith.cmpi ne, %sign3A_508, %ne3A_516 : vector<128x128xi32>
    %rem3A_518 = vector.broadcast %jit3A_497 : i32 to vector<128x128xi32>
    %rem3A_519 = arith.remsi %iota3A, %rem3A_518 : vector<128x128xi32>
    %ne3A_520 = arith.constant 0 : i32
    %ne3A_521 = vector.broadcast %ne3A_520 : i32 to vector<128x128xi32>
    %ne3A_522 = arith.cmpi ne, %rem3A_519, %ne3A_521 : vector<128x128xi32>
    %and3A_523 = arith.andi %ne3A_517, %ne3A_522 : vector<128x128xi1>
    %sub3A_524 = arith.constant 1 : i32
    %sub3A_525 = vector.broadcast %sub3A_524 : i32 to vector<128x128xi32>
    %sub3A_526 = arith.subi %div3A_499, %sub3A_525 : vector<128x128xi32>
    %select_n3A_527 = arith.select %and3A_523, %sub3A_526, %div3A_499 : vector<128x128xi1>, vector<128x128xi32>
    %eq3A_528 = arith.constant 12 : i32
    %eq3A_529 = vector.broadcast %eq3A_528 : i32 to vector<128x128xi32>
    %eq3A_530 = arith.cmpi eq, %select_n3A_527, %eq3A_529 : vector<128x128xi32>
    %jit3A_531 = arith.constant 0.000000e+00 : f32
    %broadcast_in_dim3A_532 = vector.broadcast %jit3A_531 : f32 to vector<128x128xf32>
    %select_n3A_533 = arith.select %eq3A_530, %get3A_1, %broadcast_in_dim3A_532 : vector<128x128xi1>, vector<128x128xf32>
    %get3A_534 = arith.constant 0 : index
    %get3A_535 = arith.constant 12 : index
    %get3A_536 = arith.constant 0 : index
    %get3A_537 = vector.load %arg1[%get3A_534, %get3A_535, %get3A_536] : memref<125x16x128xf32, #tpu.memory_space<vmem>>, vector<125x1x128xf32>
    %get3A_538 = vector.shape_cast %get3A_537 : vector<125x1x128xf32> to vector<125x128xf32>
    %dot_general3A_539 = arith.constant dense<0.000000e+00> : vector<125x128xf32>
    %dot_general3A_540 = tpu.matmul %get3A_538, %select_n3A_533, %dot_general3A_539 {dimension_numbers = #tpu.dot_dimension_numbers<[1], [0], [0], [1], [0, 0, 1, 1], [], []>, transpose_lhs_hint = false} : vector<125x128xf32>, vector<128x128xf32>, vector<125x128xf32> -> vector<125x128xf32>
    %add3A_541 = arith.addf %add3A_496, %dot_general3A_540 : vector<125x128xf32>
    %jit3A_542 = arith.constant 8 : i32
    %div3A_543 = vector.broadcast %jit3A_542 : i32 to vector<128x128xi32>
    %div3A_544 = arith.divsi %iota3A, %div3A_543 : vector<128x128xi32>
    %sign3A_545 = arith.constant 0 : i32
    %sign3A_546 = vector.broadcast %sign3A_545 : i32 to vector<128x128xi32>
    %sign3A_547 = arith.cmpi sgt, %iota3A, %sign3A_546 : vector<128x128xi32>
    %sign3A_548 = arith.extui %sign3A_547 : vector<128x128xi1> to vector<128x128xi32>
    %sign3A_549 = arith.constant 0 : i32
    %sign3A_550 = vector.broadcast %sign3A_549 : i32 to vector<128x128xi32>
    %sign3A_551 = arith.cmpi slt, %iota3A, %sign3A_550 : vector<128x128xi32>
    %sign3A_552 = arith.extui %sign3A_551 : vector<128x128xi1> to vector<128x128xi32>
    %sign3A_553 = arith.subi %sign3A_548, %sign3A_552 : vector<128x128xi32>
    %sign3A_554 = arith.constant 0 : i32
    %sign3A_555 = arith.cmpi sgt, %jit3A_542, %sign3A_554 : i32
    %sign3A_556 = arith.extui %sign3A_555 : i1 to i32
    %sign3A_557 = arith.constant 0 : i32
    %sign3A_558 = arith.cmpi slt, %jit3A_542, %sign3A_557 : i32
    %sign3A_559 = arith.extui %sign3A_558 : i1 to i32
    %sign3A_560 = arith.subi %sign3A_556, %sign3A_559 : i32
    %ne3A_561 = vector.broadcast %sign3A_560 : i32 to vector<128x128xi32>
    %ne3A_562 = arith.cmpi ne, %sign3A_553, %ne3A_561 : vector<128x128xi32>
    %rem3A_563 = vector.broadcast %jit3A_542 : i32 to vector<128x128xi32>
    %rem3A_564 = arith.remsi %iota3A, %rem3A_563 : vector<128x128xi32>
    %ne3A_565 = arith.constant 0 : i32
    %ne3A_566 = vector.broadcast %ne3A_565 : i32 to vector<128x128xi32>
    %ne3A_567 = arith.cmpi ne, %rem3A_564, %ne3A_566 : vector<128x128xi32>
    %and3A_568 = arith.andi %ne3A_562, %ne3A_567 : vector<128x128xi1>
    %sub3A_569 = arith.constant 1 : i32
    %sub3A_570 = vector.broadcast %sub3A_569 : i32 to vector<128x128xi32>
    %sub3A_571 = arith.subi %div3A_544, %sub3A_570 : vector<128x128xi32>
    %select_n3A_572 = arith.select %and3A_568, %sub3A_571, %div3A_544 : vector<128x128xi1>, vector<128x128xi32>
    %eq3A_573 = arith.constant 13 : i32
    %eq3A_574 = vector.broadcast %eq3A_573 : i32 to vector<128x128xi32>
    %eq3A_575 = arith.cmpi eq, %select_n3A_572, %eq3A_574 : vector<128x128xi32>
    %jit3A_576 = arith.constant 0.000000e+00 : f32
    %broadcast_in_dim3A_577 = vector.broadcast %jit3A_576 : f32 to vector<128x128xf32>
    %select_n3A_578 = arith.select %eq3A_575, %get3A_1, %broadcast_in_dim3A_577 : vector<128x128xi1>, vector<128x128xf32>
    %get3A_579 = arith.constant 0 : index
    %get3A_580 = arith.constant 13 : index
    %get3A_581 = arith.constant 0 : index
    %get3A_582 = vector.load %arg1[%get3A_579, %get3A_580, %get3A_581] : memref<125x16x128xf32, #tpu.memory_space<vmem>>, vector<125x1x128xf32>
    %get3A_583 = vector.shape_cast %get3A_582 : vector<125x1x128xf32> to vector<125x128xf32>
    %dot_general3A_584 = arith.constant dense<0.000000e+00> : vector<125x128xf32>
    %dot_general3A_585 = tpu.matmul %get3A_583, %select_n3A_578, %dot_general3A_584 {dimension_numbers = #tpu.dot_dimension_numbers<[1], [0], [0], [1], [0, 0, 1, 1], [], []>, transpose_lhs_hint = false} : vector<125x128xf32>, vector<128x128xf32>, vector<125x128xf32> -> vector<125x128xf32>
    %add3A_586 = arith.addf %add3A_541, %dot_general3A_585 : vector<125x128xf32>
    %jit3A_587 = arith.constant 8 : i32
    %div3A_588 = vector.broadcast %jit3A_587 : i32 to vector<128x128xi32>
    %div3A_589 = arith.divsi %iota3A, %div3A_588 : vector<128x128xi32>
    %sign3A_590 = arith.constant 0 : i32
    %sign3A_591 = vector.broadcast %sign3A_590 : i32 to vector<128x128xi32>
    %sign3A_592 = arith.cmpi sgt, %iota3A, %sign3A_591 : vector<128x128xi32>
    %sign3A_593 = arith.extui %sign3A_592 : vector<128x128xi1> to vector<128x128xi32>
    %sign3A_594 = arith.constant 0 : i32
    %sign3A_595 = vector.broadcast %sign3A_594 : i32 to vector<128x128xi32>
    %sign3A_596 = arith.cmpi slt, %iota3A, %sign3A_595 : vector<128x128xi32>
    %sign3A_597 = arith.extui %sign3A_596 : vector<128x128xi1> to vector<128x128xi32>
    %sign3A_598 = arith.subi %sign3A_593, %sign3A_597 : vector<128x128xi32>
    %sign3A_599 = arith.constant 0 : i32
    %sign3A_600 = arith.cmpi sgt, %jit3A_587, %sign3A_599 : i32
    %sign3A_601 = arith.extui %sign3A_600 : i1 to i32
    %sign3A_602 = arith.constant 0 : i32
    %sign3A_603 = arith.cmpi slt, %jit3A_587, %sign3A_602 : i32
    %sign3A_604 = arith.extui %sign3A_603 : i1 to i32
    %sign3A_605 = arith.subi %sign3A_601, %sign3A_604 : i32
    %ne3A_606 = vector.broadcast %sign3A_605 : i32 to vector<128x128xi32>
    %ne3A_607 = arith.cmpi ne, %sign3A_598, %ne3A_606 : vector<128x128xi32>
    %rem3A_608 = vector.broadcast %jit3A_587 : i32 to vector<128x128xi32>
    %rem3A_609 = arith.remsi %iota3A, %rem3A_608 : vector<128x128xi32>
    %ne3A_610 = arith.constant 0 : i32
    %ne3A_611 = vector.broadcast %ne3A_610 : i32 to vector<128x128xi32>
    %ne3A_612 = arith.cmpi ne, %rem3A_609, %ne3A_611 : vector<128x128xi32>
    %and3A_613 = arith.andi %ne3A_607, %ne3A_612 : vector<128x128xi1>
    %sub3A_614 = arith.constant 1 : i32
    %sub3A_615 = vector.broadcast %sub3A_614 : i32 to vector<128x128xi32>
    %sub3A_616 = arith.subi %div3A_589, %sub3A_615 : vector<128x128xi32>
    %select_n3A_617 = arith.select %and3A_613, %sub3A_616, %div3A_589 : vector<128x128xi1>, vector<128x128xi32>
    %eq3A_618 = arith.constant 14 : i32
    %eq3A_619 = vector.broadcast %eq3A_618 : i32 to vector<128x128xi32>
    %eq3A_620 = arith.cmpi eq, %select_n3A_617, %eq3A_619 : vector<128x128xi32>
    %jit3A_621 = arith.constant 0.000000e+00 : f32
    %broadcast_in_dim3A_622 = vector.broadcast %jit3A_621 : f32 to vector<128x128xf32>
    %select_n3A_623 = arith.select %eq3A_620, %get3A_1, %broadcast_in_dim3A_622 : vector<128x128xi1>, vector<128x128xf32>
    %get3A_624 = arith.constant 0 : index
    %get3A_625 = arith.constant 14 : index
    %get3A_626 = arith.constant 0 : index
    %get3A_627 = vector.load %arg1[%get3A_624, %get3A_625, %get3A_626] : memref<125x16x128xf32, #tpu.memory_space<vmem>>, vector<125x1x128xf32>
    %get3A_628 = vector.shape_cast %get3A_627 : vector<125x1x128xf32> to vector<125x128xf32>
    %dot_general3A_629 = arith.constant dense<0.000000e+00> : vector<125x128xf32>
    %dot_general3A_630 = tpu.matmul %get3A_628, %select_n3A_623, %dot_general3A_629 {dimension_numbers = #tpu.dot_dimension_numbers<[1], [0], [0], [1], [0, 0, 1, 1], [], []>, transpose_lhs_hint = false} : vector<125x128xf32>, vector<128x128xf32>, vector<125x128xf32> -> vector<125x128xf32>
    %add3A_631 = arith.addf %add3A_586, %dot_general3A_630 : vector<125x128xf32>
    %jit3A_632 = arith.constant 8 : i32
    %div3A_633 = vector.broadcast %jit3A_632 : i32 to vector<128x128xi32>
    %div3A_634 = arith.divsi %iota3A, %div3A_633 : vector<128x128xi32>
    %sign3A_635 = arith.constant 0 : i32
    %sign3A_636 = vector.broadcast %sign3A_635 : i32 to vector<128x128xi32>
    %sign3A_637 = arith.cmpi sgt, %iota3A, %sign3A_636 : vector<128x128xi32>
    %sign3A_638 = arith.extui %sign3A_637 : vector<128x128xi1> to vector<128x128xi32>
    %sign3A_639 = arith.constant 0 : i32
    %sign3A_640 = vector.broadcast %sign3A_639 : i32 to vector<128x128xi32>
    %sign3A_641 = arith.cmpi slt, %iota3A, %sign3A_640 : vector<128x128xi32>
    %sign3A_642 = arith.extui %sign3A_641 : vector<128x128xi1> to vector<128x128xi32>
    %sign3A_643 = arith.subi %sign3A_638, %sign3A_642 : vector<128x128xi32>
    %sign3A_644 = arith.constant 0 : i32
    %sign3A_645 = arith.cmpi sgt, %jit3A_632, %sign3A_644 : i32
    %sign3A_646 = arith.extui %sign3A_645 : i1 to i32
    %sign3A_647 = arith.constant 0 : i32
    %sign3A_648 = arith.cmpi slt, %jit3A_632, %sign3A_647 : i32
    %sign3A_649 = arith.extui %sign3A_648 : i1 to i32
    %sign3A_650 = arith.subi %sign3A_646, %sign3A_649 : i32
    %ne3A_651 = vector.broadcast %sign3A_650 : i32 to vector<128x128xi32>
    %ne3A_652 = arith.cmpi ne, %sign3A_643, %ne3A_651 : vector<128x128xi32>
    %rem3A_653 = vector.broadcast %jit3A_632 : i32 to vector<128x128xi32>
    %rem3A_654 = arith.remsi %iota3A, %rem3A_653 : vector<128x128xi32>
    %ne3A_655 = arith.constant 0 : i32
    %ne3A_656 = vector.broadcast %ne3A_655 : i32 to vector<128x128xi32>
    %ne3A_657 = arith.cmpi ne, %rem3A_654, %ne3A_656 : vector<128x128xi32>
    %and3A_658 = arith.andi %ne3A_652, %ne3A_657 : vector<128x128xi1>
    %sub3A_659 = arith.constant 1 : i32
    %sub3A_660 = vector.broadcast %sub3A_659 : i32 to vector<128x128xi32>
    %sub3A_661 = arith.subi %div3A_634, %sub3A_660 : vector<128x128xi32>
    %select_n3A_662 = arith.select %and3A_658, %sub3A_661, %div3A_634 : vector<128x128xi1>, vector<128x128xi32>
    %eq3A_663 = arith.constant 15 : i32
    %eq3A_664 = vector.broadcast %eq3A_663 : i32 to vector<128x128xi32>
    %eq3A_665 = arith.cmpi eq, %select_n3A_662, %eq3A_664 : vector<128x128xi32>
    %jit3A_666 = arith.constant 0.000000e+00 : f32
    %broadcast_in_dim3A_667 = vector.broadcast %jit3A_666 : f32 to vector<128x128xf32>
    %select_n3A_668 = arith.select %eq3A_665, %get3A_1, %broadcast_in_dim3A_667 : vector<128x128xi1>, vector<128x128xf32>
    %get3A_669 = arith.constant 0 : index
    %get3A_670 = arith.constant 15 : index
    %get3A_671 = arith.constant 0 : index
    %get3A_672 = vector.load %arg1[%get3A_669, %get3A_670, %get3A_671] : memref<125x16x128xf32, #tpu.memory_space<vmem>>, vector<125x1x128xf32>
    %get3A_673 = vector.shape_cast %get3A_672 : vector<125x1x128xf32> to vector<125x128xf32>
    %dot_general3A_674 = arith.constant dense<0.000000e+00> : vector<125x128xf32>
    %dot_general3A_675 = tpu.matmul %get3A_673, %select_n3A_668, %dot_general3A_674 {dimension_numbers = #tpu.dot_dimension_numbers<[1], [0], [0], [1], [0, 0, 1, 1], [], []>, transpose_lhs_hint = false} : vector<125x128xf32>, vector<128x128xf32>, vector<125x128xf32> -> vector<125x128xf32>
    %add3A_676 = arith.addf %add3A_631, %dot_general3A_675 : vector<125x128xf32>
    %get3A_677 = arith.constant 0 : index
    %get3A_678 = arith.constant 0 : index
    %get3A_679 = vector.load %arg3[%get3A_677, %get3A_678] : memref<8x128xf32, #tpu.memory_space<vmem>>, vector<1x128xf32>
    %add3A_680 = vector.broadcast %get3A_679 : vector<1x128xf32> to vector<125x128xf32>
    %add3A_681 = arith.addf %add3A_676, %add3A_680 : vector<125x128xf32>
    %mul3A = arith.constant 125 : i32
    %mul3A_682 = arith.muli %arg0, %mul3A : i32
    %swap3A = arith.index_cast %mul3A_682 : i32 to index
    %swap3A_683 = arith.constant 0 : index
    %swap3A_684 = vector.load %arg7[%swap3A, %swap3A_683] : memref<625x128xf32, #tpu.memory_space<vmem>>, vector<125x128xf32>
    tpu.vector_store %arg7[%swap3A, %swap3A_683], %add3A_681 {strides = array<i32>} : memref<625x128xf32, #tpu.memory_space<vmem>>, vector<125x128xf32>,
    %eq3A_685 = arith.constant 4 : i32
    %eq3A_686 = arith.cmpi eq, %arg0, %eq3A_685 : i32
    %convert_element_type3A = arith.extui %eq3A_686 : i1 to i32
    %cond3A = arith.constant 0 : i32
    %cond3A_687 = arith.cmpi ne, %convert_element_type3A, %cond3A : i32
    scf.if %cond3A_687 {
      %get3A_688 = arith.constant 0 : index
      %get3A_689 = arith.constant 0 : index
      %get3A_690 = vector.load %arg7[%get3A_688, %get3A_689] : memref<625x128xf32, #tpu.memory_space<vmem>>, vector<625x128xf32>
      %reduce_sum3A = arith.constant dense<0.000000e+00> : vector<128xf32>
      %reduce_sum3A_691 = vector.multi_reduction <add>, %get3A_690, %reduce_sum3A [0] : vector<625x128xf32> to vector<128xf32>
      %broadcast_in_dim3A_692 = vector.shape_cast %reduce_sum3A_691 : vector<128xf32> to vector<1x128xf32>
      %get3A_693 = arith.constant 0 : index
      %get3A_694 = arith.constant 0 : index
      %get3A_695 = vector.load %arg4[%get3A_693, %get3A_694] : memref<128x128xf32, #tpu.memory_space<vmem>>, vector<128x128xf32>
      %dot_general3A_696 = arith.constant dense<0.000000e+00> : vector<1x128xf32>
      %dot_general3A_697 = tpu.matmul %broadcast_in_dim3A_692, %get3A_695, %dot_general3A_696 {dimension_numbers = #tpu.dot_dimension_numbers<[1], [0], [0], [1], [0, 0, 1, 1], [], []>, transpose_lhs_hint = false} : vector<1x128xf32>, vector<128x128xf32>, vector<1x128xf32> -> vector<1x128xf32>
      %div3A_698 = arith.constant 1.000000e+04 : f32
      %div3A_699 = vector.broadcast %div3A_698 : f32 to vector<1x128xf32>
      %div3A_700 = arith.divf %dot_general3A_697, %div3A_699 : vector<1x128xf32>
      %sub3A_701 = vector.broadcast %div3A_700 : vector<1x128xf32> to vector<625x128xf32>
      %sub3A_702 = arith.subf %get3A_690, %sub3A_701 : vector<625x128xf32>
      %mul3A_703 = arith.mulf %sub3A_702, %sub3A_702 : vector<625x128xf32>
      %reduce_sum3A_704 = arith.constant dense<0.000000e+00> : vector<128xf32>
      %reduce_sum3A_705 = vector.multi_reduction <add>, %mul3A_703, %reduce_sum3A_704 [0] : vector<625x128xf32> to vector<128xf32>
      %broadcast_in_dim3A_706 = vector.shape_cast %reduce_sum3A_705 : vector<128xf32> to vector<1x128xf32>
      %get3A_707 = arith.constant 0 : index
      %get3A_708 = arith.constant 0 : index
      %get3A_709 = vector.load %arg4[%get3A_707, %get3A_708] : memref<128x128xf32, #tpu.memory_space<vmem>>, vector<128x128xf32>
      %dot_general3A_710 = arith.constant dense<0.000000e+00> : vector<1x128xf32>
      %dot_general3A_711 = tpu.matmul %broadcast_in_dim3A_706, %get3A_709, %dot_general3A_710 {dimension_numbers = #tpu.dot_dimension_numbers<[1], [0], [0], [1], [0, 0, 1, 1], [], []>, transpose_lhs_hint = false} : vector<1x128xf32>, vector<128x128xf32>, vector<1x128xf32> -> vector<1x128xf32>
      %div3A_712 = arith.constant 1.000000e+04 : f32
      %div3A_713 = vector.broadcast %div3A_712 : f32 to vector<1x128xf32>
      %div3A_714 = arith.divf %dot_general3A_711, %div3A_713 : vector<1x128xf32>
      %add3A_715 = arith.constant 9.99999974E-6 : f32
      %add3A_716 = vector.broadcast %add3A_715 : f32 to vector<1x128xf32>
      %add3A_717 = arith.addf %div3A_714, %add3A_716 : vector<1x128xf32>
      %rsqrt3A = math.rsqrt %add3A_717 : vector<1x128xf32>
      %add3A_718 = arith.constant 9.99999974E-6 : f32
      %add3A_719 = vector.broadcast %add3A_718 : f32 to vector<1x128xf32>
      %add3A_720 = arith.addf %div3A_714, %add3A_719 : vector<1x128xf32>
      %mul3A_721 = arith.constant 5.000000e-01 : f32
      %mul3A_722 = vector.broadcast %mul3A_721 : f32 to vector<1x128xf32>
      %mul3A_723 = arith.mulf %mul3A_722, %add3A_720 : vector<1x128xf32>
      %mul3A_724 = arith.mulf %mul3A_723, %rsqrt3A : vector<1x128xf32>
      %mul3A_725 = arith.mulf %mul3A_724, %rsqrt3A : vector<1x128xf32>
      %sub3A_726 = arith.constant 1.500000e+00 : f32
      %sub3A_727 = vector.broadcast %sub3A_726 : f32 to vector<1x128xf32>
      %sub3A_728 = arith.subf %sub3A_727, %mul3A_725 : vector<1x128xf32>
      %mul3A_729 = arith.mulf %rsqrt3A, %sub3A_728 : vector<1x128xf32>
      %get3A_730 = arith.constant 1 : index
      %get3A_731 = arith.constant 0 : index
      %get3A_732 = vector.load %arg3[%get3A_730, %get3A_731] : memref<8x128xf32, #tpu.memory_space<vmem>>, vector<1x128xf32>
      %mul3A_733 = vector.broadcast %get3A_732 : vector<1x128xf32> to vector<625x128xf32>
      %mul3A_734 = arith.mulf %mul3A_733, %sub3A_702 : vector<625x128xf32>
      %mul3A_735 = vector.broadcast %mul3A_729 : vector<1x128xf32> to vector<625x128xf32>
      %mul3A_736 = arith.mulf %mul3A_734, %mul3A_735 : vector<625x128xf32>
      %get3A_737 = arith.constant 2 : index
      %get3A_738 = arith.constant 0 : index
      %get3A_739 = vector.load %arg3[%get3A_737, %get3A_738] : memref<8x128xf32, #tpu.memory_space<vmem>>, vector<1x128xf32>
      %add3A_740 = vector.broadcast %get3A_739 : vector<1x128xf32> to vector<625x128xf32>
      %add3A_741 = arith.addf %mul3A_736, %add3A_740 : vector<625x128xf32>
      %max3A = arith.constant 0.000000e+00 : f32
      %max3A_742 = vector.broadcast %max3A : f32 to vector<625x128xf32>
      %max3A_743 = arith.maximumf %add3A_741, %max3A_742 : vector<625x128xf32>
      %swap3A_744 = arith.constant 0 : index
      %swap3A_745 = arith.constant 0 : index
      %swap3A_746 = vector.load %arg5[%swap3A_744, %swap3A_745] : memref<625x128xf32, #tpu.memory_space<vmem>>, vector<625x128xf32>
      tpu.vector_store %arg5[%swap3A_744, %swap3A_745], %max3A_743 {strides = array<i32>} : memref<625x128xf32, #tpu.memory_space<vmem>>, vector<625x128xf32>,
      %broadcast_in_dim3A_747 = arith.constant 0.000000e+00 : f32
      %broadcast_in_dim3A_748 = vector.broadcast %broadcast_in_dim3A_747 : f32 to vector<625x128xf32>
      %swap3A_749 = arith.constant 0 : index
      %swap3A_750 = arith.constant 0 : index
      %swap3A_751 = vector.load %arg6[%swap3A_749, %swap3A_750] : memref<625x128xf32, #tpu.memory_space<vmem>>, vector<625x128xf32>
      tpu.vector_store %arg6[%swap3A_749, %swap3A_750], %broadcast_in_dim3A_748 {strides = array<i32>} : memref<625x128xf32, #tpu.memory_space<vmem>>, vector<625x128xf32>,
    } else {
    }
    return
  }
  func.func @transform_0(%arg0: i32) -> (i32, i32, i32) {
    %c0_i32 = arith.constant 0 : i32
    %c0_i32_0 = arith.constant 0 : i32
    %c0_i32_1 = arith.constant 0 : i32
    return %arg0, %c0_i32, %c0_i32_0 : i32, i32, i32
  }
  func.func @transform_1(%arg0: i32) -> (i32, i32) {
    %c0_i32 = arith.constant 0 : i32
    %c0_i32_0 = arith.constant 0 : i32
    %c0_i32_1 = arith.constant 0 : i32
    return %c0_i32, %c0_i32_0 : i32, i32
  }
  func.func @transform_2(%arg0: i32) -> (i32, i32) {
    %c0_i32 = arith.constant 0 : i32
    %c0_i32_0 = arith.constant 0 : i32
    %c0_i32_1 = arith.constant 0 : i32
    return %c0_i32, %c0_i32_0 : i32, i32
  }
  func.func @transform_3(%arg0: i32) -> (i32, i32) {
    %c0_i32 = arith.constant 0 : i32
    %c0_i32_0 = arith.constant 0 : i32
    %c0_i32_1 = arith.constant 0 : i32
    return %c0_i32, %c0_i32_0 : i32, i32
  }
  func.func @transform_4(%arg0: i32) -> (i32, i32) {
    %c0_i32 = arith.constant 0 : i32
    %c0_i32_0 = arith.constant 0 : i32
    %c0_i32_1 = arith.constant 0 : i32
    return %c0_i32, %c0_i32_0 : i32, i32
  }
  func.func @transform_5(%arg0: i32) -> (i32, i32) {
    %c0_i32 = arith.constant 0 : i32
    %c0_i32_0 = arith.constant 0 : i32
    %c0_i32_1 = arith.constant 0 : i32
    return %c0_i32, %c0_i32_0 : i32, i32
  }
}

module attributes {stable_mosaic.version = 14 : i64} {
  func.func @_second_layer_body(%arg0: memref<625x128xf32, #tpu.memory_space<vmem>>, %arg1: memref<625x128xf32, #tpu.memory_space<vmem>>, %arg2: memref<625x128xf32, #tpu.memory_space<vmem>>, %arg3: memref<625x128xi32, #tpu.memory_space<vmem>>, %arg4: memref<128x128xf32, #tpu.memory_space<vmem>>, %arg5: memref<8x128xf32, #tpu.memory_space<vmem>>, %arg6: memref<128x128xf32, #tpu.memory_space<vmem>>, %arg7: memref<128x128xf32, #tpu.memory_space<vmem>>, %arg8: memref<128x16xf32, #tpu.memory_space<vmem>>, %arg9: memref<1x1xf32, #tpu.memory_space<vmem>>, %arg10: memref<1x1xf32, #tpu.memory_space<vmem>>, %arg11: memref<16x1xf32, #tpu.memory_space<vmem>>, %arg12: memref<625x16xf32, #tpu.memory_space<vmem>>) attributes {dimension_semantics = [], scalar_prefetch = 0 : i64, scratch_operands = 0 : i64, tpu.core_type = #tpu.core_type<tc>} {
    %get3A = arith.constant 0 : index
    %get3A_0 = arith.constant 0 : index
    %get3A_1 = vector.load %arg0[%get3A, %get3A_0] : memref<625x128xf32, #tpu.memory_space<vmem>>, vector<625x128xf32>
    %get3A_2 = arith.constant 0 : index
    %get3A_3 = arith.constant 0 : index
    %get3A_4 = vector.load %arg1[%get3A_2, %get3A_3] : memref<625x128xf32, #tpu.memory_space<vmem>>, vector<625x128xf32>
    %add3A = arith.addf %get3A_1, %get3A_4 : vector<625x128xf32>
    %get3A_5 = arith.constant 0 : index
    %get3A_6 = arith.constant 0 : index
    %get3A_7 = vector.load %arg2[%get3A_5, %get3A_6] : memref<625x128xf32, #tpu.memory_space<vmem>>, vector<625x128xf32>
    %add3A_8 = arith.addf %add3A, %get3A_7 : vector<625x128xf32>
    %get3A_9 = arith.constant 0 : index
    %get3A_10 = arith.constant 0 : index
    %get3A_11 = vector.load %arg4[%get3A_9, %get3A_10] : memref<128x128xf32, #tpu.memory_space<vmem>>, vector<128x128xf32>
    %dot_general3A = arith.constant dense<0.000000e+00> : vector<625x128xf32>
    %dot_general3A_12 = tpu.matmul %add3A_8, %get3A_11, %dot_general3A {dimension_numbers = #tpu.dot_dimension_numbers<[1], [0], [0], [1], [0, 0, 1, 1], [], []>, transpose_lhs_hint = false} : vector<625x128xf32>, vector<128x128xf32>, vector<625x128xf32> -> vector<625x128xf32>
    %get3A_13 = arith.constant 3 : index
    %get3A_14 = arith.constant 0 : index
    %get3A_15 = vector.load %arg5[%get3A_13, %get3A_14] : memref<8x128xf32, #tpu.memory_space<vmem>>, vector<1x128xf32>
    %add3A_16 = vector.broadcast %get3A_15 : vector<1x128xf32> to vector<625x128xf32>
    %add3A_17 = arith.addf %dot_general3A_12, %add3A_16 : vector<625x128xf32>
    %reduce_sum3A = arith.constant dense<0.000000e+00> : vector<128xf32>
    %reduce_sum3A_18 = vector.multi_reduction <add>, %add3A_17, %reduce_sum3A [0] : vector<625x128xf32> to vector<128xf32>
    %broadcast_in_dim3A = vector.shape_cast %reduce_sum3A_18 : vector<128xf32> to vector<1x128xf32>
    %get3A_19 = arith.constant 0 : index
    %get3A_20 = arith.constant 0 : index
    %get3A_21 = vector.load %arg6[%get3A_19, %get3A_20] : memref<128x128xf32, #tpu.memory_space<vmem>>, vector<128x128xf32>
    %dot_general3A_22 = arith.constant dense<0.000000e+00> : vector<1x128xf32>
    %dot_general3A_23 = tpu.matmul %broadcast_in_dim3A, %get3A_21, %dot_general3A_22 {dimension_numbers = #tpu.dot_dimension_numbers<[1], [0], [0], [1], [0, 0, 1, 1], [], []>, transpose_lhs_hint = false} : vector<1x128xf32>, vector<128x128xf32>, vector<1x128xf32> -> vector<1x128xf32>
    %div3A = arith.constant 1.000000e+04 : f32
    %div3A_24 = vector.broadcast %div3A : f32 to vector<1x128xf32>
    %div3A_25 = arith.divf %dot_general3A_23, %div3A_24 : vector<1x128xf32>
    %sub3A = vector.broadcast %div3A_25 : vector<1x128xf32> to vector<625x128xf32>
    %sub3A_26 = arith.subf %add3A_17, %sub3A : vector<625x128xf32>
    %mul3A = arith.mulf %sub3A_26, %sub3A_26 : vector<625x128xf32>
    %reduce_sum3A_27 = arith.constant dense<0.000000e+00> : vector<128xf32>
    %reduce_sum3A_28 = vector.multi_reduction <add>, %mul3A, %reduce_sum3A_27 [0] : vector<625x128xf32> to vector<128xf32>
    %broadcast_in_dim3A_29 = vector.shape_cast %reduce_sum3A_28 : vector<128xf32> to vector<1x128xf32>
    %get3A_30 = arith.constant 0 : index
    %get3A_31 = arith.constant 0 : index
    %get3A_32 = vector.load %arg6[%get3A_30, %get3A_31] : memref<128x128xf32, #tpu.memory_space<vmem>>, vector<128x128xf32>
    %dot_general3A_33 = arith.constant dense<0.000000e+00> : vector<1x128xf32>
    %dot_general3A_34 = tpu.matmul %broadcast_in_dim3A_29, %get3A_32, %dot_general3A_33 {dimension_numbers = #tpu.dot_dimension_numbers<[1], [0], [0], [1], [0, 0, 1, 1], [], []>, transpose_lhs_hint = false} : vector<1x128xf32>, vector<128x128xf32>, vector<1x128xf32> -> vector<1x128xf32>
    %div3A_35 = arith.constant 1.000000e+04 : f32
    %div3A_36 = vector.broadcast %div3A_35 : f32 to vector<1x128xf32>
    %div3A_37 = arith.divf %dot_general3A_34, %div3A_36 : vector<1x128xf32>
    %add3A_38 = arith.constant 9.99999974E-6 : f32
    %add3A_39 = vector.broadcast %add3A_38 : f32 to vector<1x128xf32>
    %add3A_40 = arith.addf %div3A_37, %add3A_39 : vector<1x128xf32>
    %rsqrt3A = math.rsqrt %add3A_40 : vector<1x128xf32>
    %add3A_41 = arith.constant 9.99999974E-6 : f32
    %add3A_42 = vector.broadcast %add3A_41 : f32 to vector<1x128xf32>
    %add3A_43 = arith.addf %div3A_37, %add3A_42 : vector<1x128xf32>
    %mul3A_44 = arith.constant 5.000000e-01 : f32
    %mul3A_45 = vector.broadcast %mul3A_44 : f32 to vector<1x128xf32>
    %mul3A_46 = arith.mulf %mul3A_45, %add3A_43 : vector<1x128xf32>
    %mul3A_47 = arith.mulf %mul3A_46, %rsqrt3A : vector<1x128xf32>
    %mul3A_48 = arith.mulf %mul3A_47, %rsqrt3A : vector<1x128xf32>
    %sub3A_49 = arith.constant 1.500000e+00 : f32
    %sub3A_50 = vector.broadcast %sub3A_49 : f32 to vector<1x128xf32>
    %sub3A_51 = arith.subf %sub3A_50, %mul3A_48 : vector<1x128xf32>
    %mul3A_52 = arith.mulf %rsqrt3A, %sub3A_51 : vector<1x128xf32>
    %get3A_53 = arith.constant 4 : index
    %get3A_54 = arith.constant 0 : index
    %get3A_55 = vector.load %arg5[%get3A_53, %get3A_54] : memref<8x128xf32, #tpu.memory_space<vmem>>, vector<1x128xf32>
    %mul3A_56 = vector.broadcast %get3A_55 : vector<1x128xf32> to vector<625x128xf32>
    %mul3A_57 = arith.mulf %mul3A_56, %sub3A_26 : vector<625x128xf32>
    %mul3A_58 = vector.broadcast %mul3A_52 : vector<1x128xf32> to vector<625x128xf32>
    %mul3A_59 = arith.mulf %mul3A_57, %mul3A_58 : vector<625x128xf32>
    %get3A_60 = arith.constant 5 : index
    %get3A_61 = arith.constant 0 : index
    %get3A_62 = vector.load %arg5[%get3A_60, %get3A_61] : memref<8x128xf32, #tpu.memory_space<vmem>>, vector<1x128xf32>
    %add3A_63 = vector.broadcast %get3A_62 : vector<1x128xf32> to vector<625x128xf32>
    %add3A_64 = arith.addf %mul3A_59, %add3A_63 : vector<625x128xf32>
    %max3A = arith.constant 0.000000e+00 : f32
    %max3A_65 = vector.broadcast %max3A : f32 to vector<625x128xf32>
    %max3A_66 = arith.maximumf %add3A_64, %max3A_65 : vector<625x128xf32>
    %get3A_67 = arith.constant 6 : index
    %get3A_68 = arith.constant 0 : index
    %get3A_69 = vector.load %arg5[%get3A_67, %get3A_68] : memref<8x128xf32, #tpu.memory_space<vmem>>, vector<1x128xf32>
    %mul3A_70 = vector.broadcast %get3A_69 : vector<1x128xf32> to vector<625x128xf32>
    %mul3A_71 = arith.mulf %get3A_1, %mul3A_70 : vector<625x128xf32>
    %get3A_72 = arith.constant 0 : index
    %get3A_73 = arith.constant 0 : index
    %get3A_74 = vector.load %arg7[%get3A_72, %get3A_73] : memref<128x128xf32, #tpu.memory_space<vmem>>, vector<128x128xf32>
    %dot_general3A_75 = arith.constant dense<0.000000e+00> : vector<625x128xf32>
    %dot_general3A_76 = tpu.matmul %mul3A_71, %get3A_74, %dot_general3A_75 {dimension_numbers = #tpu.dot_dimension_numbers<[1], [0], [0], [1], [0, 0, 1, 1], [], []>, transpose_lhs_hint = false} : vector<625x128xf32>, vector<128x128xf32>, vector<625x128xf32> -> vector<625x128xf32>
    %get3A_77 = arith.constant 0 : index
    %get3A_78 = arith.constant 0 : index
    %get3A_79 = vector.load %arg9[%get3A_77, %get3A_78] : memref<1x1xf32, #tpu.memory_space<vmem>>, vector<1x1xf32>
    %add3A_80 = vector.broadcast %get3A_79 : vector<1x1xf32> to vector<625x128xf32>
    %add3A_81 = arith.addf %dot_general3A_76, %add3A_80 : vector<625x128xf32>
    %get3A_82 = arith.constant 7 : index
    %get3A_83 = arith.constant 0 : index
    %get3A_84 = vector.load %arg5[%get3A_82, %get3A_83] : memref<8x128xf32, #tpu.memory_space<vmem>>, vector<1x128xf32>
    %mul3A_85 = vector.broadcast %get3A_84 : vector<1x128xf32> to vector<625x128xf32>
    %mul3A_86 = arith.mulf %max3A_66, %mul3A_85 : vector<625x128xf32>
    %get3A_87 = arith.constant 0 : index
    %get3A_88 = arith.constant 0 : index
    %get3A_89 = vector.load %arg7[%get3A_87, %get3A_88] : memref<128x128xf32, #tpu.memory_space<vmem>>, vector<128x128xf32>
    %dot_general3A_90 = arith.constant dense<0.000000e+00> : vector<625x128xf32>
    %dot_general3A_91 = tpu.matmul %mul3A_86, %get3A_89, %dot_general3A_90 {dimension_numbers = #tpu.dot_dimension_numbers<[1], [0], [0], [1], [0, 0, 1, 1], [], []>, transpose_lhs_hint = false} : vector<625x128xf32>, vector<128x128xf32>, vector<625x128xf32> -> vector<625x128xf32>
    %get3A_92 = arith.constant 0 : index
    %get3A_93 = arith.constant 0 : index
    %get3A_94 = vector.load %arg10[%get3A_92, %get3A_93] : memref<1x1xf32, #tpu.memory_space<vmem>>, vector<1x1xf32>
    %add3A_95 = vector.broadcast %get3A_94 : vector<1x1xf32> to vector<625x128xf32>
    %add3A_96 = arith.addf %dot_general3A_91, %add3A_95 : vector<625x128xf32>
    %add3A_97 = arith.addf %add3A_81, %add3A_96 : vector<625x128xf32>
    %get3A_98 = arith.constant 0 : index
    %get3A_99 = arith.constant 0 : index
    %get3A_100 = vector.load %arg8[%get3A_98, %get3A_99] : memref<128x16xf32, #tpu.memory_space<vmem>>, vector<128x16xf32>
    %dot_general3A_101 = arith.constant dense<0.000000e+00> : vector<625x16xf32>
    %dot_general3A_102 = tpu.matmul %add3A_97, %get3A_100, %dot_general3A_101 {dimension_numbers = #tpu.dot_dimension_numbers<[1], [0], [0], [1], [0, 0, 1, 1], [], []>, transpose_lhs_hint = false} : vector<625x128xf32>, vector<128x16xf32>, vector<625x16xf32> -> vector<625x16xf32>
    %swap3A = arith.constant 0 : index
    %swap3A_103 = arith.constant 0 : index
    %swap3A_104 = vector.load %arg12[%swap3A, %swap3A_103] : memref<625x16xf32, #tpu.memory_space<vmem>>, vector<625x16xf32>
    tpu.vector_store %arg12[%swap3A, %swap3A_103], %dot_general3A_102 {strides = array<i32>} : memref<625x16xf32, #tpu.memory_space<vmem>>, vector<625x16xf32>,
    %get3A_105 = arith.constant 0 : index
    %get3A_106 = arith.constant 0 : index
    %get3A_107 = vector.load %arg3[%get3A_105, %get3A_106] : memref<625x128xi32, #tpu.memory_space<vmem>>, vector<625x128xi32>
    %eq3A = arith.constant 0 : i32
    %eq3A_108 = vector.broadcast %eq3A : i32 to vector<625x128xi32>
    %eq3A_109 = arith.cmpi eq, %get3A_107, %eq3A_108 : vector<625x128xi32>
    %jit3A = arith.constant 0xFF800000 : f32
    %broadcast_in_dim3A_110 = vector.broadcast %jit3A : f32 to vector<625x128xf32>
    %select_n3A = arith.select %eq3A_109, %add3A_81, %broadcast_in_dim3A_110 : vector<625x128xi1>, vector<625x128xf32>
    %reduce_max3A = vector.shape_cast %select_n3A : vector<625x128xf32> to vector<1x625x128xf32>
    %reduce_max3A_111 = arith.constant dense<0xFF800000> : vector<1xf32>
    %reduce_max3A_112 = vector.multi_reduction <maximumf>, %reduce_max3A, %reduce_max3A_111 [1, 2] : vector<1x625x128xf32> to vector<1xf32>
    %reduce_max3A_113 = vector.shape_cast %reduce_max3A_112 : vector<1xf32> to vector<1x1x1xf32>
    %reduce_max3A_114 = vector.extract %reduce_max3A_113[0, 0, 0] : f32 from vector<1x1x1xf32>
    %jit3A_115 = arith.constant 0xFF800000 : f32
    %broadcast_in_dim3A_116 = vector.broadcast %jit3A_115 : f32 to vector<625x128xf32>
    %select_n3A_117 = arith.select %eq3A_109, %add3A_96, %broadcast_in_dim3A_116 : vector<625x128xi1>, vector<625x128xf32>
    %reduce_max3A_118 = vector.shape_cast %select_n3A_117 : vector<625x128xf32> to vector<1x625x128xf32>
    %reduce_max3A_119 = arith.constant dense<0xFF800000> : vector<1xf32>
    %reduce_max3A_120 = vector.multi_reduction <maximumf>, %reduce_max3A_118, %reduce_max3A_119 [1, 2] : vector<1x625x128xf32> to vector<1xf32>
    %reduce_max3A_121 = vector.shape_cast %reduce_max3A_120 : vector<1xf32> to vector<1x1x1xf32>
    %reduce_max3A_122 = vector.extract %reduce_max3A_121[0, 0, 0] : f32 from vector<1x1x1xf32>
    %add3A_123 = arith.addf %reduce_max3A_114, %reduce_max3A_122 : f32
    %broadcast_in_dim3A_124 = vector.broadcast %add3A_123 : f32 to vector<1x1xf32>
    %eq3A_125 = arith.constant 1 : i32
    %eq3A_126 = vector.broadcast %eq3A_125 : i32 to vector<625x128xi32>
    %eq3A_127 = arith.cmpi eq, %get3A_107, %eq3A_126 : vector<625x128xi32>
    %jit3A_128 = arith.constant 0xFF800000 : f32
    %broadcast_in_dim3A_129 = vector.broadcast %jit3A_128 : f32 to vector<625x128xf32>
    %select_n3A_130 = arith.select %eq3A_127, %add3A_81, %broadcast_in_dim3A_129 : vector<625x128xi1>, vector<625x128xf32>
    %reduce_max3A_131 = vector.shape_cast %select_n3A_130 : vector<625x128xf32> to vector<1x625x128xf32>
    %reduce_max3A_132 = arith.constant dense<0xFF800000> : vector<1xf32>
    %reduce_max3A_133 = vector.multi_reduction <maximumf>, %reduce_max3A_131, %reduce_max3A_132 [1, 2] : vector<1x625x128xf32> to vector<1xf32>
    %reduce_max3A_134 = vector.shape_cast %reduce_max3A_133 : vector<1xf32> to vector<1x1x1xf32>
    %reduce_max3A_135 = vector.extract %reduce_max3A_134[0, 0, 0] : f32 from vector<1x1x1xf32>
    %jit3A_136 = arith.constant 0xFF800000 : f32
    %broadcast_in_dim3A_137 = vector.broadcast %jit3A_136 : f32 to vector<625x128xf32>
    %select_n3A_138 = arith.select %eq3A_127, %add3A_96, %broadcast_in_dim3A_137 : vector<625x128xi1>, vector<625x128xf32>
    %reduce_max3A_139 = vector.shape_cast %select_n3A_138 : vector<625x128xf32> to vector<1x625x128xf32>
    %reduce_max3A_140 = arith.constant dense<0xFF800000> : vector<1xf32>
    %reduce_max3A_141 = vector.multi_reduction <maximumf>, %reduce_max3A_139, %reduce_max3A_140 [1, 2] : vector<1x625x128xf32> to vector<1xf32>
    %reduce_max3A_142 = vector.shape_cast %reduce_max3A_141 : vector<1xf32> to vector<1x1x1xf32>
    %reduce_max3A_143 = vector.extract %reduce_max3A_142[0, 0, 0] : f32 from vector<1x1x1xf32>
    %add3A_144 = arith.addf %reduce_max3A_135, %reduce_max3A_143 : f32
    %broadcast_in_dim3A_145 = vector.broadcast %add3A_144 : f32 to vector<1x1xf32>
    %eq3A_146 = arith.constant 2 : i32
    %eq3A_147 = vector.broadcast %eq3A_146 : i32 to vector<625x128xi32>
    %eq3A_148 = arith.cmpi eq, %get3A_107, %eq3A_147 : vector<625x128xi32>
    %jit3A_149 = arith.constant 0xFF800000 : f32
    %broadcast_in_dim3A_150 = vector.broadcast %jit3A_149 : f32 to vector<625x128xf32>
    %select_n3A_151 = arith.select %eq3A_148, %add3A_81, %broadcast_in_dim3A_150 : vector<625x128xi1>, vector<625x128xf32>
    %reduce_max3A_152 = vector.shape_cast %select_n3A_151 : vector<625x128xf32> to vector<1x625x128xf32>
    %reduce_max3A_153 = arith.constant dense<0xFF800000> : vector<1xf32>
    %reduce_max3A_154 = vector.multi_reduction <maximumf>, %reduce_max3A_152, %reduce_max3A_153 [1, 2] : vector<1x625x128xf32> to vector<1xf32>
    %reduce_max3A_155 = vector.shape_cast %reduce_max3A_154 : vector<1xf32> to vector<1x1x1xf32>
    %reduce_max3A_156 = vector.extract %reduce_max3A_155[0, 0, 0] : f32 from vector<1x1x1xf32>
    %jit3A_157 = arith.constant 0xFF800000 : f32
    %broadcast_in_dim3A_158 = vector.broadcast %jit3A_157 : f32 to vector<625x128xf32>
    %select_n3A_159 = arith.select %eq3A_148, %add3A_96, %broadcast_in_dim3A_158 : vector<625x128xi1>, vector<625x128xf32>
    %reduce_max3A_160 = vector.shape_cast %select_n3A_159 : vector<625x128xf32> to vector<1x625x128xf32>
    %reduce_max3A_161 = arith.constant dense<0xFF800000> : vector<1xf32>
    %reduce_max3A_162 = vector.multi_reduction <maximumf>, %reduce_max3A_160, %reduce_max3A_161 [1, 2] : vector<1x625x128xf32> to vector<1xf32>
    %reduce_max3A_163 = vector.shape_cast %reduce_max3A_162 : vector<1xf32> to vector<1x1x1xf32>
    %reduce_max3A_164 = vector.extract %reduce_max3A_163[0, 0, 0] : f32 from vector<1x1x1xf32>
    %add3A_165 = arith.addf %reduce_max3A_156, %reduce_max3A_164 : f32
    %broadcast_in_dim3A_166 = vector.broadcast %add3A_165 : f32 to vector<1x1xf32>
    %eq3A_167 = arith.constant 3 : i32
    %eq3A_168 = vector.broadcast %eq3A_167 : i32 to vector<625x128xi32>
    %eq3A_169 = arith.cmpi eq, %get3A_107, %eq3A_168 : vector<625x128xi32>
    %jit3A_170 = arith.constant 0xFF800000 : f32
    %broadcast_in_dim3A_171 = vector.broadcast %jit3A_170 : f32 to vector<625x128xf32>
    %select_n3A_172 = arith.select %eq3A_169, %add3A_81, %broadcast_in_dim3A_171 : vector<625x128xi1>, vector<625x128xf32>
    %reduce_max3A_173 = vector.shape_cast %select_n3A_172 : vector<625x128xf32> to vector<1x625x128xf32>
    %reduce_max3A_174 = arith.constant dense<0xFF800000> : vector<1xf32>
    %reduce_max3A_175 = vector.multi_reduction <maximumf>, %reduce_max3A_173, %reduce_max3A_174 [1, 2] : vector<1x625x128xf32> to vector<1xf32>
    %reduce_max3A_176 = vector.shape_cast %reduce_max3A_175 : vector<1xf32> to vector<1x1x1xf32>
    %reduce_max3A_177 = vector.extract %reduce_max3A_176[0, 0, 0] : f32 from vector<1x1x1xf32>
    %jit3A_178 = arith.constant 0xFF800000 : f32
    %broadcast_in_dim3A_179 = vector.broadcast %jit3A_178 : f32 to vector<625x128xf32>
    %select_n3A_180 = arith.select %eq3A_169, %add3A_96, %broadcast_in_dim3A_179 : vector<625x128xi1>, vector<625x128xf32>
    %reduce_max3A_181 = vector.shape_cast %select_n3A_180 : vector<625x128xf32> to vector<1x625x128xf32>
    %reduce_max3A_182 = arith.constant dense<0xFF800000> : vector<1xf32>
    %reduce_max3A_183 = vector.multi_reduction <maximumf>, %reduce_max3A_181, %reduce_max3A_182 [1, 2] : vector<1x625x128xf32> to vector<1xf32>
    %reduce_max3A_184 = vector.shape_cast %reduce_max3A_183 : vector<1xf32> to vector<1x1x1xf32>
    %reduce_max3A_185 = vector.extract %reduce_max3A_184[0, 0, 0] : f32 from vector<1x1x1xf32>
    %add3A_186 = arith.addf %reduce_max3A_177, %reduce_max3A_185 : f32
    %broadcast_in_dim3A_187 = vector.broadcast %add3A_186 : f32 to vector<1x1xf32>
    %eq3A_188 = arith.constant 4 : i32
    %eq3A_189 = vector.broadcast %eq3A_188 : i32 to vector<625x128xi32>
    %eq3A_190 = arith.cmpi eq, %get3A_107, %eq3A_189 : vector<625x128xi32>
    %jit3A_191 = arith.constant 0xFF800000 : f32
    %broadcast_in_dim3A_192 = vector.broadcast %jit3A_191 : f32 to vector<625x128xf32>
    %select_n3A_193 = arith.select %eq3A_190, %add3A_81, %broadcast_in_dim3A_192 : vector<625x128xi1>, vector<625x128xf32>
    %reduce_max3A_194 = vector.shape_cast %select_n3A_193 : vector<625x128xf32> to vector<1x625x128xf32>
    %reduce_max3A_195 = arith.constant dense<0xFF800000> : vector<1xf32>
    %reduce_max3A_196 = vector.multi_reduction <maximumf>, %reduce_max3A_194, %reduce_max3A_195 [1, 2] : vector<1x625x128xf32> to vector<1xf32>
    %reduce_max3A_197 = vector.shape_cast %reduce_max3A_196 : vector<1xf32> to vector<1x1x1xf32>
    %reduce_max3A_198 = vector.extract %reduce_max3A_197[0, 0, 0] : f32 from vector<1x1x1xf32>
    %jit3A_199 = arith.constant 0xFF800000 : f32
    %broadcast_in_dim3A_200 = vector.broadcast %jit3A_199 : f32 to vector<625x128xf32>
    %select_n3A_201 = arith.select %eq3A_190, %add3A_96, %broadcast_in_dim3A_200 : vector<625x128xi1>, vector<625x128xf32>
    %reduce_max3A_202 = vector.shape_cast %select_n3A_201 : vector<625x128xf32> to vector<1x625x128xf32>
    %reduce_max3A_203 = arith.constant dense<0xFF800000> : vector<1xf32>
    %reduce_max3A_204 = vector.multi_reduction <maximumf>, %reduce_max3A_202, %reduce_max3A_203 [1, 2] : vector<1x625x128xf32> to vector<1xf32>
    %reduce_max3A_205 = vector.shape_cast %reduce_max3A_204 : vector<1xf32> to vector<1x1x1xf32>
    %reduce_max3A_206 = vector.extract %reduce_max3A_205[0, 0, 0] : f32 from vector<1x1x1xf32>
    %add3A_207 = arith.addf %reduce_max3A_198, %reduce_max3A_206 : f32
    %broadcast_in_dim3A_208 = vector.broadcast %add3A_207 : f32 to vector<1x1xf32>
    %eq3A_209 = arith.constant 5 : i32
    %eq3A_210 = vector.broadcast %eq3A_209 : i32 to vector<625x128xi32>
    %eq3A_211 = arith.cmpi eq, %get3A_107, %eq3A_210 : vector<625x128xi32>
    %jit3A_212 = arith.constant 0xFF800000 : f32
    %broadcast_in_dim3A_213 = vector.broadcast %jit3A_212 : f32 to vector<625x128xf32>
    %select_n3A_214 = arith.select %eq3A_211, %add3A_81, %broadcast_in_dim3A_213 : vector<625x128xi1>, vector<625x128xf32>
    %reduce_max3A_215 = vector.shape_cast %select_n3A_214 : vector<625x128xf32> to vector<1x625x128xf32>
    %reduce_max3A_216 = arith.constant dense<0xFF800000> : vector<1xf32>
    %reduce_max3A_217 = vector.multi_reduction <maximumf>, %reduce_max3A_215, %reduce_max3A_216 [1, 2] : vector<1x625x128xf32> to vector<1xf32>
    %reduce_max3A_218 = vector.shape_cast %reduce_max3A_217 : vector<1xf32> to vector<1x1x1xf32>
    %reduce_max3A_219 = vector.extract %reduce_max3A_218[0, 0, 0] : f32 from vector<1x1x1xf32>
    %jit3A_220 = arith.constant 0xFF800000 : f32
    %broadcast_in_dim3A_221 = vector.broadcast %jit3A_220 : f32 to vector<625x128xf32>
    %select_n3A_222 = arith.select %eq3A_211, %add3A_96, %broadcast_in_dim3A_221 : vector<625x128xi1>, vector<625x128xf32>
    %reduce_max3A_223 = vector.shape_cast %select_n3A_222 : vector<625x128xf32> to vector<1x625x128xf32>
    %reduce_max3A_224 = arith.constant dense<0xFF800000> : vector<1xf32>
    %reduce_max3A_225 = vector.multi_reduction <maximumf>, %reduce_max3A_223, %reduce_max3A_224 [1, 2] : vector<1x625x128xf32> to vector<1xf32>
    %reduce_max3A_226 = vector.shape_cast %reduce_max3A_225 : vector<1xf32> to vector<1x1x1xf32>
    %reduce_max3A_227 = vector.extract %reduce_max3A_226[0, 0, 0] : f32 from vector<1x1x1xf32>
    %add3A_228 = arith.addf %reduce_max3A_219, %reduce_max3A_227 : f32
    %broadcast_in_dim3A_229 = vector.broadcast %add3A_228 : f32 to vector<1x1xf32>
    %eq3A_230 = arith.constant 6 : i32
    %eq3A_231 = vector.broadcast %eq3A_230 : i32 to vector<625x128xi32>
    %eq3A_232 = arith.cmpi eq, %get3A_107, %eq3A_231 : vector<625x128xi32>
    %jit3A_233 = arith.constant 0xFF800000 : f32
    %broadcast_in_dim3A_234 = vector.broadcast %jit3A_233 : f32 to vector<625x128xf32>
    %select_n3A_235 = arith.select %eq3A_232, %add3A_81, %broadcast_in_dim3A_234 : vector<625x128xi1>, vector<625x128xf32>
    %reduce_max3A_236 = vector.shape_cast %select_n3A_235 : vector<625x128xf32> to vector<1x625x128xf32>
    %reduce_max3A_237 = arith.constant dense<0xFF800000> : vector<1xf32>
    %reduce_max3A_238 = vector.multi_reduction <maximumf>, %reduce_max3A_236, %reduce_max3A_237 [1, 2] : vector<1x625x128xf32> to vector<1xf32>
    %reduce_max3A_239 = vector.shape_cast %reduce_max3A_238 : vector<1xf32> to vector<1x1x1xf32>
    %reduce_max3A_240 = vector.extract %reduce_max3A_239[0, 0, 0] : f32 from vector<1x1x1xf32>
    %jit3A_241 = arith.constant 0xFF800000 : f32
    %broadcast_in_dim3A_242 = vector.broadcast %jit3A_241 : f32 to vector<625x128xf32>
    %select_n3A_243 = arith.select %eq3A_232, %add3A_96, %broadcast_in_dim3A_242 : vector<625x128xi1>, vector<625x128xf32>
    %reduce_max3A_244 = vector.shape_cast %select_n3A_243 : vector<625x128xf32> to vector<1x625x128xf32>
    %reduce_max3A_245 = arith.constant dense<0xFF800000> : vector<1xf32>
    %reduce_max3A_246 = vector.multi_reduction <maximumf>, %reduce_max3A_244, %reduce_max3A_245 [1, 2] : vector<1x625x128xf32> to vector<1xf32>
    %reduce_max3A_247 = vector.shape_cast %reduce_max3A_246 : vector<1xf32> to vector<1x1x1xf32>
    %reduce_max3A_248 = vector.extract %reduce_max3A_247[0, 0, 0] : f32 from vector<1x1x1xf32>
    %add3A_249 = arith.addf %reduce_max3A_240, %reduce_max3A_248 : f32
    %broadcast_in_dim3A_250 = vector.broadcast %add3A_249 : f32 to vector<1x1xf32>
    %eq3A_251 = arith.constant 7 : i32
    %eq3A_252 = vector.broadcast %eq3A_251 : i32 to vector<625x128xi32>
    %eq3A_253 = arith.cmpi eq, %get3A_107, %eq3A_252 : vector<625x128xi32>
    %jit3A_254 = arith.constant 0xFF800000 : f32
    %broadcast_in_dim3A_255 = vector.broadcast %jit3A_254 : f32 to vector<625x128xf32>
    %select_n3A_256 = arith.select %eq3A_253, %add3A_81, %broadcast_in_dim3A_255 : vector<625x128xi1>, vector<625x128xf32>
    %reduce_max3A_257 = vector.shape_cast %select_n3A_256 : vector<625x128xf32> to vector<1x625x128xf32>
    %reduce_max3A_258 = arith.constant dense<0xFF800000> : vector<1xf32>
    %reduce_max3A_259 = vector.multi_reduction <maximumf>, %reduce_max3A_257, %reduce_max3A_258 [1, 2] : vector<1x625x128xf32> to vector<1xf32>
    %reduce_max3A_260 = vector.shape_cast %reduce_max3A_259 : vector<1xf32> to vector<1x1x1xf32>
    %reduce_max3A_261 = vector.extract %reduce_max3A_260[0, 0, 0] : f32 from vector<1x1x1xf32>
    %jit3A_262 = arith.constant 0xFF800000 : f32
    %broadcast_in_dim3A_263 = vector.broadcast %jit3A_262 : f32 to vector<625x128xf32>
    %select_n3A_264 = arith.select %eq3A_253, %add3A_96, %broadcast_in_dim3A_263 : vector<625x128xi1>, vector<625x128xf32>
    %reduce_max3A_265 = vector.shape_cast %select_n3A_264 : vector<625x128xf32> to vector<1x625x128xf32>
    %reduce_max3A_266 = arith.constant dense<0xFF800000> : vector<1xf32>
    %reduce_max3A_267 = vector.multi_reduction <maximumf>, %reduce_max3A_265, %reduce_max3A_266 [1, 2] : vector<1x625x128xf32> to vector<1xf32>
    %reduce_max3A_268 = vector.shape_cast %reduce_max3A_267 : vector<1xf32> to vector<1x1x1xf32>
    %reduce_max3A_269 = vector.extract %reduce_max3A_268[0, 0, 0] : f32 from vector<1x1x1xf32>
    %add3A_270 = arith.addf %reduce_max3A_261, %reduce_max3A_269 : f32
    %broadcast_in_dim3A_271 = vector.broadcast %add3A_270 : f32 to vector<1x1xf32>
    %eq3A_272 = arith.constant 8 : i32
    %eq3A_273 = vector.broadcast %eq3A_272 : i32 to vector<625x128xi32>
    %eq3A_274 = arith.cmpi eq, %get3A_107, %eq3A_273 : vector<625x128xi32>
    %jit3A_275 = arith.constant 0xFF800000 : f32
    %broadcast_in_dim3A_276 = vector.broadcast %jit3A_275 : f32 to vector<625x128xf32>
    %select_n3A_277 = arith.select %eq3A_274, %add3A_81, %broadcast_in_dim3A_276 : vector<625x128xi1>, vector<625x128xf32>
    %reduce_max3A_278 = vector.shape_cast %select_n3A_277 : vector<625x128xf32> to vector<1x625x128xf32>
    %reduce_max3A_279 = arith.constant dense<0xFF800000> : vector<1xf32>
    %reduce_max3A_280 = vector.multi_reduction <maximumf>, %reduce_max3A_278, %reduce_max3A_279 [1, 2] : vector<1x625x128xf32> to vector<1xf32>
    %reduce_max3A_281 = vector.shape_cast %reduce_max3A_280 : vector<1xf32> to vector<1x1x1xf32>
    %reduce_max3A_282 = vector.extract %reduce_max3A_281[0, 0, 0] : f32 from vector<1x1x1xf32>
    %jit3A_283 = arith.constant 0xFF800000 : f32
    %broadcast_in_dim3A_284 = vector.broadcast %jit3A_283 : f32 to vector<625x128xf32>
    %select_n3A_285 = arith.select %eq3A_274, %add3A_96, %broadcast_in_dim3A_284 : vector<625x128xi1>, vector<625x128xf32>
    %reduce_max3A_286 = vector.shape_cast %select_n3A_285 : vector<625x128xf32> to vector<1x625x128xf32>
    %reduce_max3A_287 = arith.constant dense<0xFF800000> : vector<1xf32>
    %reduce_max3A_288 = vector.multi_reduction <maximumf>, %reduce_max3A_286, %reduce_max3A_287 [1, 2] : vector<1x625x128xf32> to vector<1xf32>
    %reduce_max3A_289 = vector.shape_cast %reduce_max3A_288 : vector<1xf32> to vector<1x1x1xf32>
    %reduce_max3A_290 = vector.extract %reduce_max3A_289[0, 0, 0] : f32 from vector<1x1x1xf32>
    %add3A_291 = arith.addf %reduce_max3A_282, %reduce_max3A_290 : f32
    %broadcast_in_dim3A_292 = vector.broadcast %add3A_291 : f32 to vector<1x1xf32>
    %eq3A_293 = arith.constant 9 : i32
    %eq3A_294 = vector.broadcast %eq3A_293 : i32 to vector<625x128xi32>
    %eq3A_295 = arith.cmpi eq, %get3A_107, %eq3A_294 : vector<625x128xi32>
    %jit3A_296 = arith.constant 0xFF800000 : f32
    %broadcast_in_dim3A_297 = vector.broadcast %jit3A_296 : f32 to vector<625x128xf32>
    %select_n3A_298 = arith.select %eq3A_295, %add3A_81, %broadcast_in_dim3A_297 : vector<625x128xi1>, vector<625x128xf32>
    %reduce_max3A_299 = vector.shape_cast %select_n3A_298 : vector<625x128xf32> to vector<1x625x128xf32>
    %reduce_max3A_300 = arith.constant dense<0xFF800000> : vector<1xf32>
    %reduce_max3A_301 = vector.multi_reduction <maximumf>, %reduce_max3A_299, %reduce_max3A_300 [1, 2] : vector<1x625x128xf32> to vector<1xf32>
    %reduce_max3A_302 = vector.shape_cast %reduce_max3A_301 : vector<1xf32> to vector<1x1x1xf32>
    %reduce_max3A_303 = vector.extract %reduce_max3A_302[0, 0, 0] : f32 from vector<1x1x1xf32>
    %jit3A_304 = arith.constant 0xFF800000 : f32
    %broadcast_in_dim3A_305 = vector.broadcast %jit3A_304 : f32 to vector<625x128xf32>
    %select_n3A_306 = arith.select %eq3A_295, %add3A_96, %broadcast_in_dim3A_305 : vector<625x128xi1>, vector<625x128xf32>
    %reduce_max3A_307 = vector.shape_cast %select_n3A_306 : vector<625x128xf32> to vector<1x625x128xf32>
    %reduce_max3A_308 = arith.constant dense<0xFF800000> : vector<1xf32>
    %reduce_max3A_309 = vector.multi_reduction <maximumf>, %reduce_max3A_307, %reduce_max3A_308 [1, 2] : vector<1x625x128xf32> to vector<1xf32>
    %reduce_max3A_310 = vector.shape_cast %reduce_max3A_309 : vector<1xf32> to vector<1x1x1xf32>
    %reduce_max3A_311 = vector.extract %reduce_max3A_310[0, 0, 0] : f32 from vector<1x1x1xf32>
    %add3A_312 = arith.addf %reduce_max3A_303, %reduce_max3A_311 : f32
    %broadcast_in_dim3A_313 = vector.broadcast %add3A_312 : f32 to vector<1x1xf32>
    %eq3A_314 = arith.constant 10 : i32
    %eq3A_315 = vector.broadcast %eq3A_314 : i32 to vector<625x128xi32>
    %eq3A_316 = arith.cmpi eq, %get3A_107, %eq3A_315 : vector<625x128xi32>
    %jit3A_317 = arith.constant 0xFF800000 : f32
    %broadcast_in_dim3A_318 = vector.broadcast %jit3A_317 : f32 to vector<625x128xf32>
    %select_n3A_319 = arith.select %eq3A_316, %add3A_81, %broadcast_in_dim3A_318 : vector<625x128xi1>, vector<625x128xf32>
    %reduce_max3A_320 = vector.shape_cast %select_n3A_319 : vector<625x128xf32> to vector<1x625x128xf32>
    %reduce_max3A_321 = arith.constant dense<0xFF800000> : vector<1xf32>
    %reduce_max3A_322 = vector.multi_reduction <maximumf>, %reduce_max3A_320, %reduce_max3A_321 [1, 2] : vector<1x625x128xf32> to vector<1xf32>
    %reduce_max3A_323 = vector.shape_cast %reduce_max3A_322 : vector<1xf32> to vector<1x1x1xf32>
    %reduce_max3A_324 = vector.extract %reduce_max3A_323[0, 0, 0] : f32 from vector<1x1x1xf32>
    %jit3A_325 = arith.constant 0xFF800000 : f32
    %broadcast_in_dim3A_326 = vector.broadcast %jit3A_325 : f32 to vector<625x128xf32>
    %select_n3A_327 = arith.select %eq3A_316, %add3A_96, %broadcast_in_dim3A_326 : vector<625x128xi1>, vector<625x128xf32>
    %reduce_max3A_328 = vector.shape_cast %select_n3A_327 : vector<625x128xf32> to vector<1x625x128xf32>
    %reduce_max3A_329 = arith.constant dense<0xFF800000> : vector<1xf32>
    %reduce_max3A_330 = vector.multi_reduction <maximumf>, %reduce_max3A_328, %reduce_max3A_329 [1, 2] : vector<1x625x128xf32> to vector<1xf32>
    %reduce_max3A_331 = vector.shape_cast %reduce_max3A_330 : vector<1xf32> to vector<1x1x1xf32>
    %reduce_max3A_332 = vector.extract %reduce_max3A_331[0, 0, 0] : f32 from vector<1x1x1xf32>
    %add3A_333 = arith.addf %reduce_max3A_324, %reduce_max3A_332 : f32
    %broadcast_in_dim3A_334 = vector.broadcast %add3A_333 : f32 to vector<1x1xf32>
    %eq3A_335 = arith.constant 11 : i32
    %eq3A_336 = vector.broadcast %eq3A_335 : i32 to vector<625x128xi32>
    %eq3A_337 = arith.cmpi eq, %get3A_107, %eq3A_336 : vector<625x128xi32>
    %jit3A_338 = arith.constant 0xFF800000 : f32
    %broadcast_in_dim3A_339 = vector.broadcast %jit3A_338 : f32 to vector<625x128xf32>
    %select_n3A_340 = arith.select %eq3A_337, %add3A_81, %broadcast_in_dim3A_339 : vector<625x128xi1>, vector<625x128xf32>
    %reduce_max3A_341 = vector.shape_cast %select_n3A_340 : vector<625x128xf32> to vector<1x625x128xf32>
    %reduce_max3A_342 = arith.constant dense<0xFF800000> : vector<1xf32>
    %reduce_max3A_343 = vector.multi_reduction <maximumf>, %reduce_max3A_341, %reduce_max3A_342 [1, 2] : vector<1x625x128xf32> to vector<1xf32>
    %reduce_max3A_344 = vector.shape_cast %reduce_max3A_343 : vector<1xf32> to vector<1x1x1xf32>
    %reduce_max3A_345 = vector.extract %reduce_max3A_344[0, 0, 0] : f32 from vector<1x1x1xf32>
    %jit3A_346 = arith.constant 0xFF800000 : f32
    %broadcast_in_dim3A_347 = vector.broadcast %jit3A_346 : f32 to vector<625x128xf32>
    %select_n3A_348 = arith.select %eq3A_337, %add3A_96, %broadcast_in_dim3A_347 : vector<625x128xi1>, vector<625x128xf32>
    %reduce_max3A_349 = vector.shape_cast %select_n3A_348 : vector<625x128xf32> to vector<1x625x128xf32>
    %reduce_max3A_350 = arith.constant dense<0xFF800000> : vector<1xf32>
    %reduce_max3A_351 = vector.multi_reduction <maximumf>, %reduce_max3A_349, %reduce_max3A_350 [1, 2] : vector<1x625x128xf32> to vector<1xf32>
    %reduce_max3A_352 = vector.shape_cast %reduce_max3A_351 : vector<1xf32> to vector<1x1x1xf32>
    %reduce_max3A_353 = vector.extract %reduce_max3A_352[0, 0, 0] : f32 from vector<1x1x1xf32>
    %add3A_354 = arith.addf %reduce_max3A_345, %reduce_max3A_353 : f32
    %broadcast_in_dim3A_355 = vector.broadcast %add3A_354 : f32 to vector<1x1xf32>
    %eq3A_356 = arith.constant 12 : i32
    %eq3A_357 = vector.broadcast %eq3A_356 : i32 to vector<625x128xi32>
    %eq3A_358 = arith.cmpi eq, %get3A_107, %eq3A_357 : vector<625x128xi32>
    %jit3A_359 = arith.constant 0xFF800000 : f32
    %broadcast_in_dim3A_360 = vector.broadcast %jit3A_359 : f32 to vector<625x128xf32>
    %select_n3A_361 = arith.select %eq3A_358, %add3A_81, %broadcast_in_dim3A_360 : vector<625x128xi1>, vector<625x128xf32>
    %reduce_max3A_362 = vector.shape_cast %select_n3A_361 : vector<625x128xf32> to vector<1x625x128xf32>
    %reduce_max3A_363 = arith.constant dense<0xFF800000> : vector<1xf32>
    %reduce_max3A_364 = vector.multi_reduction <maximumf>, %reduce_max3A_362, %reduce_max3A_363 [1, 2] : vector<1x625x128xf32> to vector<1xf32>
    %reduce_max3A_365 = vector.shape_cast %reduce_max3A_364 : vector<1xf32> to vector<1x1x1xf32>
    %reduce_max3A_366 = vector.extract %reduce_max3A_365[0, 0, 0] : f32 from vector<1x1x1xf32>
    %jit3A_367 = arith.constant 0xFF800000 : f32
    %broadcast_in_dim3A_368 = vector.broadcast %jit3A_367 : f32 to vector<625x128xf32>
    %select_n3A_369 = arith.select %eq3A_358, %add3A_96, %broadcast_in_dim3A_368 : vector<625x128xi1>, vector<625x128xf32>
    %reduce_max3A_370 = vector.shape_cast %select_n3A_369 : vector<625x128xf32> to vector<1x625x128xf32>
    %reduce_max3A_371 = arith.constant dense<0xFF800000> : vector<1xf32>
    %reduce_max3A_372 = vector.multi_reduction <maximumf>, %reduce_max3A_370, %reduce_max3A_371 [1, 2] : vector<1x625x128xf32> to vector<1xf32>
    %reduce_max3A_373 = vector.shape_cast %reduce_max3A_372 : vector<1xf32> to vector<1x1x1xf32>
    %reduce_max3A_374 = vector.extract %reduce_max3A_373[0, 0, 0] : f32 from vector<1x1x1xf32>
    %add3A_375 = arith.addf %reduce_max3A_366, %reduce_max3A_374 : f32
    %broadcast_in_dim3A_376 = vector.broadcast %add3A_375 : f32 to vector<1x1xf32>
    %eq3A_377 = arith.constant 13 : i32
    %eq3A_378 = vector.broadcast %eq3A_377 : i32 to vector<625x128xi32>
    %eq3A_379 = arith.cmpi eq, %get3A_107, %eq3A_378 : vector<625x128xi32>
    %jit3A_380 = arith.constant 0xFF800000 : f32
    %broadcast_in_dim3A_381 = vector.broadcast %jit3A_380 : f32 to vector<625x128xf32>
    %select_n3A_382 = arith.select %eq3A_379, %add3A_81, %broadcast_in_dim3A_381 : vector<625x128xi1>, vector<625x128xf32>
    %reduce_max3A_383 = vector.shape_cast %select_n3A_382 : vector<625x128xf32> to vector<1x625x128xf32>
    %reduce_max3A_384 = arith.constant dense<0xFF800000> : vector<1xf32>
    %reduce_max3A_385 = vector.multi_reduction <maximumf>, %reduce_max3A_383, %reduce_max3A_384 [1, 2] : vector<1x625x128xf32> to vector<1xf32>
    %reduce_max3A_386 = vector.shape_cast %reduce_max3A_385 : vector<1xf32> to vector<1x1x1xf32>
    %reduce_max3A_387 = vector.extract %reduce_max3A_386[0, 0, 0] : f32 from vector<1x1x1xf32>
    %jit3A_388 = arith.constant 0xFF800000 : f32
    %broadcast_in_dim3A_389 = vector.broadcast %jit3A_388 : f32 to vector<625x128xf32>
    %select_n3A_390 = arith.select %eq3A_379, %add3A_96, %broadcast_in_dim3A_389 : vector<625x128xi1>, vector<625x128xf32>
    %reduce_max3A_391 = vector.shape_cast %select_n3A_390 : vector<625x128xf32> to vector<1x625x128xf32>
    %reduce_max3A_392 = arith.constant dense<0xFF800000> : vector<1xf32>
    %reduce_max3A_393 = vector.multi_reduction <maximumf>, %reduce_max3A_391, %reduce_max3A_392 [1, 2] : vector<1x625x128xf32> to vector<1xf32>
    %reduce_max3A_394 = vector.shape_cast %reduce_max3A_393 : vector<1xf32> to vector<1x1x1xf32>
    %reduce_max3A_395 = vector.extract %reduce_max3A_394[0, 0, 0] : f32 from vector<1x1x1xf32>
    %add3A_396 = arith.addf %reduce_max3A_387, %reduce_max3A_395 : f32
    %broadcast_in_dim3A_397 = vector.broadcast %add3A_396 : f32 to vector<1x1xf32>
    %eq3A_398 = arith.constant 14 : i32
    %eq3A_399 = vector.broadcast %eq3A_398 : i32 to vector<625x128xi32>
    %eq3A_400 = arith.cmpi eq, %get3A_107, %eq3A_399 : vector<625x128xi32>
    %jit3A_401 = arith.constant 0xFF800000 : f32
    %broadcast_in_dim3A_402 = vector.broadcast %jit3A_401 : f32 to vector<625x128xf32>
    %select_n3A_403 = arith.select %eq3A_400, %add3A_81, %broadcast_in_dim3A_402 : vector<625x128xi1>, vector<625x128xf32>
    %reduce_max3A_404 = vector.shape_cast %select_n3A_403 : vector<625x128xf32> to vector<1x625x128xf32>
    %reduce_max3A_405 = arith.constant dense<0xFF800000> : vector<1xf32>
    %reduce_max3A_406 = vector.multi_reduction <maximumf>, %reduce_max3A_404, %reduce_max3A_405 [1, 2] : vector<1x625x128xf32> to vector<1xf32>
    %reduce_max3A_407 = vector.shape_cast %reduce_max3A_406 : vector<1xf32> to vector<1x1x1xf32>
    %reduce_max3A_408 = vector.extract %reduce_max3A_407[0, 0, 0] : f32 from vector<1x1x1xf32>
    %jit3A_409 = arith.constant 0xFF800000 : f32
    %broadcast_in_dim3A_410 = vector.broadcast %jit3A_409 : f32 to vector<625x128xf32>
    %select_n3A_411 = arith.select %eq3A_400, %add3A_96, %broadcast_in_dim3A_410 : vector<625x128xi1>, vector<625x128xf32>
    %reduce_max3A_412 = vector.shape_cast %select_n3A_411 : vector<625x128xf32> to vector<1x625x128xf32>
    %reduce_max3A_413 = arith.constant dense<0xFF800000> : vector<1xf32>
    %reduce_max3A_414 = vector.multi_reduction <maximumf>, %reduce_max3A_412, %reduce_max3A_413 [1, 2] : vector<1x625x128xf32> to vector<1xf32>
    %reduce_max3A_415 = vector.shape_cast %reduce_max3A_414 : vector<1xf32> to vector<1x1x1xf32>
    %reduce_max3A_416 = vector.extract %reduce_max3A_415[0, 0, 0] : f32 from vector<1x1x1xf32>
    %add3A_417 = arith.addf %reduce_max3A_408, %reduce_max3A_416 : f32
    %broadcast_in_dim3A_418 = vector.broadcast %add3A_417 : f32 to vector<1x1xf32>
    %eq3A_419 = arith.constant 15 : i32
    %eq3A_420 = vector.broadcast %eq3A_419 : i32 to vector<625x128xi32>
    %eq3A_421 = arith.cmpi eq, %get3A_107, %eq3A_420 : vector<625x128xi32>
    %jit3A_422 = arith.constant 0xFF800000 : f32
    %broadcast_in_dim3A_423 = vector.broadcast %jit3A_422 : f32 to vector<625x128xf32>
    %select_n3A_424 = arith.select %eq3A_421, %add3A_81, %broadcast_in_dim3A_423 : vector<625x128xi1>, vector<625x128xf32>
    %reduce_max3A_425 = vector.shape_cast %select_n3A_424 : vector<625x128xf32> to vector<1x625x128xf32>
    %reduce_max3A_426 = arith.constant dense<0xFF800000> : vector<1xf32>
    %reduce_max3A_427 = vector.multi_reduction <maximumf>, %reduce_max3A_425, %reduce_max3A_426 [1, 2] : vector<1x625x128xf32> to vector<1xf32>
    %reduce_max3A_428 = vector.shape_cast %reduce_max3A_427 : vector<1xf32> to vector<1x1x1xf32>
    %reduce_max3A_429 = vector.extract %reduce_max3A_428[0, 0, 0] : f32 from vector<1x1x1xf32>
    %jit3A_430 = arith.constant 0xFF800000 : f32
    %broadcast_in_dim3A_431 = vector.broadcast %jit3A_430 : f32 to vector<625x128xf32>
    %select_n3A_432 = arith.select %eq3A_421, %add3A_96, %broadcast_in_dim3A_431 : vector<625x128xi1>, vector<625x128xf32>
    %reduce_max3A_433 = vector.shape_cast %select_n3A_432 : vector<625x128xf32> to vector<1x625x128xf32>
    %reduce_max3A_434 = arith.constant dense<0xFF800000> : vector<1xf32>
    %reduce_max3A_435 = vector.multi_reduction <maximumf>, %reduce_max3A_433, %reduce_max3A_434 [1, 2] : vector<1x625x128xf32> to vector<1xf32>
    %reduce_max3A_436 = vector.shape_cast %reduce_max3A_435 : vector<1xf32> to vector<1x1x1xf32>
    %reduce_max3A_437 = vector.extract %reduce_max3A_436[0, 0, 0] : f32 from vector<1x1x1xf32>
    %add3A_438 = arith.addf %reduce_max3A_429, %reduce_max3A_437 : f32
    %broadcast_in_dim3A_439 = vector.broadcast %add3A_438 : f32 to vector<1x1xf32>
    %concatenate3A = tpu.concatenate %broadcast_in_dim3A_124, %broadcast_in_dim3A_145, %broadcast_in_dim3A_166, %broadcast_in_dim3A_187, %broadcast_in_dim3A_208, %broadcast_in_dim3A_229, %broadcast_in_dim3A_250, %broadcast_in_dim3A_271, %broadcast_in_dim3A_292, %broadcast_in_dim3A_313, %broadcast_in_dim3A_334, %broadcast_in_dim3A_355, %broadcast_in_dim3A_376, %broadcast_in_dim3A_397, %broadcast_in_dim3A_418, %broadcast_in_dim3A_439 in 0 : vector<1x1xf32>, vector<1x1xf32>, vector<1x1xf32>, vector<1x1xf32>, vector<1x1xf32>, vector<1x1xf32>, vector<1x1xf32>, vector<1x1xf32>, vector<1x1xf32>, vector<1x1xf32>, vector<1x1xf32>, vector<1x1xf32>, vector<1x1xf32>, vector<1x1xf32>, vector<1x1xf32>, vector<1x1xf32> -> vector<16x1xf32>
    %swap3A_440 = arith.constant 0 : index
    %swap3A_441 = arith.constant 0 : index
    %swap3A_442 = vector.load %arg11[%swap3A_440, %swap3A_441] : memref<16x1xf32, #tpu.memory_space<vmem>>, vector<16x1xf32>
    tpu.vector_store %arg11[%swap3A_440, %swap3A_441], %concatenate3A {strides = array<i32>} : memref<16x1xf32, #tpu.memory_space<vmem>>, vector<16x1xf32>,
    return
  }
}

</mosaic_0001>

<sc_bundles>
// kernel: kernel.5.cloned.1.call-start
scs
__scs_entry_jumppad:
0x0: {  	(pc) =	sbr.rel $0x88, $3  }
0x1: {  	(tag) =	ssettag $0x0;
	lr =	simm.s32 $0x1  }
0x2: {  	[smem:$0x3F92] =	sst lr;
	_ =	strace $0xD0000000  }
0x3: {  	_ = 	snop  }
0x4: {  	_ = 	snop  }
0x5: {  	_ = 	snop  }
0x6: {  	_ = 	snop  }
0x7: {  	_ = 	snop  }
__scs_overlays_trampoline_lowered:
0x8: {  	[smem:$0x3FA1] =	sst s0  }
0x9: {  	[smem:$0x3FA2] =	sst s1  }
0xa: {  	[smem:$0x3FA3] =	sst s2  }
0xb: {  	[smem:$0x3FA4] =	sst s3  }
0xc: {  	[smem:$0x3FA5] =	sst s4  }
0xd: {  	[smem:$0x3FA6] =	sst s5  }
0xe: {  	[smem:$0x3FA7] =	sst s6  }
0xf: {  	[smem:$0x3FA8] =	sst s7  }
0x10: {  	[smem:$0x3FA9] =	sst s8  }
0x11: {  	[smem:$0x3FAA] =	sst s9;
	s0 =	simm.s32 @!p0 $0x0  }
0x12: {  	s1 =	sld [smem:$0x3F90];
	s0 =	simm.s32 @p0 $0x1  }
0x13: {  	[smem:$0x3FAB] =	sst s0;
	s0 =	simm.s32 @!p1 $0x0  }
0x14: {  	s2 =	sld [smem:$0x3F8F];
	s0 =	simm.s32 @p1 $0x1  }
0x15: {  	[smem:$0x3FAC] =	sst s0;
	s0 =	simm.s32 @!p2 $0x0  }
0x16: {  	s3 =	sld [smem:$0x3FDB];
	s0 =	simm.s32 @p2 $0x1  }
0x17: {  	s4 =	simm.s32 $0x1BF5;
	[smem:$0x3FAE] =	sst s0  }
0x18: {  	s0 =	sld [smem:$0x3F91];
	_ =	swait.ge [sflag:s4], $0x0  }
0x19: {  	s7 =	sld [smem:$0x3F92]  }
0x1a: {  	s8 =	sadd.s32 $0xFFFFE003, lr  }
0x1b: {  	s9 =	sadd.s32 $0xFFFFFEF7, lr;
	s5 =	simm.s32 $0xFFFFFFFF;
	p2 =	slt.u32 s8, $0xFFFFF086  }
0x1c: {  	p1 =	slt.u32 s9, $0xF7A;
	s5 =	simm.s32 @!p2 $0x0  }
0x1d: {  	s5 =	simm.s32 @p1 $0x1;
	p0 =	seq.s32 s7, s2  }
0x1e: {  	s7 =	smul.u32 @!p0 $0xF7A, s2;
	p2 =	seq.s32 @!p0 s5, $0x0  }
0x1f: {  	s9 =	smul.u32 $0xF7A, s1;
	s8 =	simm.s32 @!p0 $0x1BF5;
	p2 =	por !p2, p0  }
0x20: {  	[sflag:s8] =	ssyncset.s32 @!p0 $0xFFFFF086;
	s6 =	sadd.s32 @!p0 s3, s7;
	s7 =	simm.s32 @!p0 $0x108  }
0x21: {  	s3 =	sadd.s32 s3, s9;
	s6 =	sadd.s32 @!p0 $0x88, s6;
	s7 =	simm.s32 @p2 $0x1082  }
0x22: {  	[simem:s7], [sflag:s8] =	dma.local @!p0 [hbm:s6], $0xF7A  }
0x23: {  	s9 =	sor.u32 $0xD0000000, s2;
	s6 =	simm.s32 $0x108;
	_ =	swait.ge @!p0 [sflag:s8], $0x0  }
0x24: {  	s3 =	sadd.s32 $0x88, s3;
	s6 =	simm.s32 @!p1 $0x1082;
	[sflag:s4] =	ssyncset.s32 $0xFFFFF086  }
0x25: {  	[simem:s6], [sflag:s4] =	dma.local [hbm:s3], $0xF7A  }
0x26: {  	[smem:$0x3F92] =	sst s1;
	(tag) =	ssettag s2;
	_ =	strace s9  }
0x27: {  	s1 =	sld [smem:$0x3FA2]  }
0x28: {  	s2 =	sld [smem:$0x3FA3]  }
0x29: {  	s4 =	sld [smem:$0x3FA5]  }
0x2a: {  	p0 =	seq.s32 s5, $0x0;
	s5 =	sld [smem:$0x3FA6]  }
0x2b: {  	s6 =	sld [smem:$0x3FA7]  }
0x2c: {  	s7 =	sld [smem:$0x3FA8]  }
0x2d: {  	s3 =	simm.s32 $0x108;
	s8 =	sld [smem:$0x3FA9]  }
0x2e: {  	s3 =	simm.s32 @!p0 $0x1082;
	s9 =	sld [smem:$0x3FAA]  }
0x2f: {  	lr =	sadd.s32 s0, s3;
	s0 =	sld [smem:$0x3FA1]  }
0x30: {  	s3 =	sld [smem:$0x3FA4]  }
0x31: {  	[smem:$0x3FAD] =	sst s10  }
0x32: {  	s10 =	sld [smem:$0x3FAB];
	_ =	sdelay $0x3  }
0x33: {  	p0 =	seq.s32 s10, $0x1;
	s10 =	sld [smem:$0x3FAD];
	_ =	sdelay $0x3  }
0x34: {  	[smem:$0x3FAD] =	sst s10  }
0x35: {  	s10 =	sld [smem:$0x3FAC];
	_ =	sdelay $0x3  }
0x36: {  	p1 =	seq.s32 s10, $0x1;
	s10 =	sld [smem:$0x3FAD];
	_ =	sdelay $0x3  }
0x37: {  	[smem:$0x3FAD] =	sst s10  }
0x38: {  	s10 =	sld [smem:$0x3FAE]  }
0x39: {  	_ = 	snop;
	(pc) =	sbr.ind lr, $3  }
0x3a: {  	_ = 	snop  }
0x3b: {  	_ = 	snop  }
0x3c: {  	p2 =	seq.s32 s10, $0x1;
	s10 =	sld [smem:$0x3FAD]  }
0x3d: {  	_ =	shalt  }
0x3e: {  	_ =	shalt  }
0x3f: {  	_ =	shalt  }
0x40: {  	_ =	shalt  }
0x41: {  	_ =	shalt  }
0x42: {  	_ =	shalt  }
0x43: {  	_ =	shalt  }
0x44: {  	_ =	shalt  }
0x45: {  	_ =	shalt  }
0x46: {  	_ =	shalt  }
0x47: {  	_ =	shalt  }
0x48: {  	_ =	shalt  }
0x49: {  	_ =	shalt  }
0x4a: {  	_ =	shalt  }
0x4b: {  	_ =	shalt  }
0x4c: {  	_ =	shalt  }
0x4d: {  	_ =	shalt  }
0x4e: {  	_ =	shalt  }
0x4f: {  	_ =	shalt  }
0x50: {  	_ =	shalt  }
0x51: {  	_ =	shalt  }
0x52: {  	_ =	shalt  }
0x53: {  	_ =	shalt  }
0x54: {  	_ =	shalt  }
0x55: {  	_ =	shalt  }
0x56: {  	_ =	shalt  }
0x57: {  	_ =	shalt  }
0x58: {  	_ =	shalt  }
0x59: {  	_ =	shalt  }
0x5a: {  	_ =	shalt  }
0x5b: {  	_ =	shalt  }
0x5c: {  	_ =	shalt  }
0x5d: {  	_ =	shalt  }
0x5e: {  	_ =	shalt  }
0x5f: {  	_ =	shalt  }
0x60: {  	_ =	shalt  }
0x61: {  	_ =	shalt  }
0x62: {  	_ =	shalt  }
0x63: {  	_ =	shalt  }
0x64: {  	_ =	shalt  }
0x65: {  	_ =	shalt  }
0x66: {  	_ =	shalt  }
0x67: {  	_ =	shalt  }
0x68: {  	_ =	shalt  }
0x69: {  	_ =	shalt  }
0x6a: {  	_ =	shalt  }
0x6b: {  	_ =	shalt  }
0x6c: {  	_ =	shalt  }
0x6d: {  	_ =	shalt  }
0x6e: {  	_ =	shalt  }
0x6f: {  	_ =	shalt  }
0x70: {  	_ =	shalt  }
0x71: {  	_ =	shalt  }
0x72: {  	_ =	shalt  }
0x73: {  	_ =	shalt  }
0x74: {  	_ =	shalt  }
0x75: {  	_ =	shalt  }
0x76: {  	_ =	shalt  }
0x77: {  	_ =	shalt  }
0x78: {  	_ =	shalt  }
0x79: {  	_ =	shalt  }
0x7a: {  	_ =	shalt  }
0x7b: {  	_ =	shalt  }
0x7c: {  	_ =	shalt  }
0x7d: {  	_ =	shalt  }
0x7e: {  	_ =	shalt  }
0x7f: {  	_ =	shalt  }
0x80: {  	_ =	shalt  }
0x81: {  	_ =	shalt  }
0x82: {  	_ =	shalt  }
0x83: {  	_ =	shalt  }
0x84: {  	_ =	shalt  }
0x85: {  	_ =	shalt  }
0x86: {  	_ =	shalt  }
0x87: {  	_ =	shalt  }
.Lfunc_end0:
.L_simem_size_0:
called_computation_lowered:
.L_overlay_start_0:
0x88: {  	s2 =	sld [smem:$0x3FD9]  }
0x89: {  	s3 =	sld [smem:$0x3FFE];
	_ =	sdelay $0x1  }
0x8a: {  	s1 =	srdreg.scid  }
0x8b: {  	s0 =	sand.u32 $0x1, s1  }
0x8c: {  	s16 =	sshll.u32 s0, $0xA;
	s2 =	sadd.s32 s3, s2  }
0x8d: {  	s2 =	sadd.s32 s2, s16  }
0x8e: {  	[smem:$0x3FB9] =	sst s2  }
0x8f: {  	_ = 	snop  }
0x90: {  	(tm) =	ssettm $0x1  }
0x91: {  	s17 =	sld [smem:$0x3FFB];
	_ =	sdelay $0x3  }
0x92: {  	_ =	strace s17  }
0x93: {  	s2 =	sld [smem:$0x3FFC];
	_ =	sdelay $0x3  }
0x94: {  	_ =	strace s2  }
0x95: {  	s2 =	sld [smem:$0x3FFD];
	_ =	sdelay $0x3  }
0x96: {  	_ =	strace s2  }
0x97: {  	_ =	strace $0x8FFFFFFF  }
0x98: {  	s18 =	sld [smem:$0x3FDB];
	_ =	sdelay $0x1  }
0x99: {  	s19 =	simm.s32 $_scs_section_size  }
0x9a: {  	s4 =	simm.s32 $_size__tile_overlayer_lowered;
	s5 =	simm.s32 $_tile_overlayer_lowered  }
0x9b: {  	s22 =	simm.s32 $0x1BFF;
	s21 =	sshll.u32 s5, $0x1;
	s2 =	sadd.s32 s19, s18  }
0x9c: {  	s6 =	simm.s32 $0x0;
	s20 =	sshll.u32 s4, $0x1;
	s4 =	sadd.s32 s21, s2  }
0x9d: {  	[timem:s6], [sflag:s22] =	dma.local [hbm:s4], s20  }
0x9e: {  	_ =	swait.ge [sflag:s22], s20  }
0x9f: {  	s3 =	ssub.s32 $0x0, s20;
	[sflag:s22] =	ssyncset.done $0x0  }
0xa0: {  	[sflag:s22] =	ssyncadd.s32 s3;
	_ =	sdelay $0x1  }
0xa1: {  	s23 =	simm.s32 $0x1B8B  }
0xa2: {  	_ =	swait.ge [sflag:s23], $0x1  }
0xa3: {  	[sflag:s23] =	ssyncset.done $0x0  }
0xa4: {  	s25 =	simm.s32 $0x1B8E;
	s24 =	sld [smem:$0x3FFE];
	[sflag:s23] =	ssyncadd.s32 $0xFFFFFFFF  }
0xa5: {  	s26 =	simm.s32 $execute0_lowered;
	[smem:$0x3FD2] =	sst s25  }
0xa6: {  	s4 =	sshll.u32 s26, $0x1;
	_ =	strace $0x80000046;
	[dreg:$0x1] =	wrdreg $0xFFFFFFFF  }
0xa7: {  	s28 =	simm.s32 $_size_execute0_lowered;
	s2 =	sadd.s32 s2, s4;
	[dreg:$0x0] =	wrdreg $0x0  }
0xa8: {  	s4 =	sshll.u32 s28, $0x1;
	[dreg:$0x2] =	wrdreg s2  }
0xa9: {  	[dreg:$0x3] =	wrdreg s4  }
0xaa: {  	[dreg:$0x4] =	wrdreg $0xC0  }
0xab: {  	_ =	task [dreg:s6], $0x5FFFF  }
0xac: {  	[dreg:$0x1] =	wrdreg $0xFFFFFFFF  }
0xad: {  	[dreg:$0x0] =	wrdreg $0x60  }
0xae: {  	[dreg:$0x2] =	wrdreg s24  }
0xaf: {  	[dreg:$0x3] =	wrdreg $0x0  }
0xb0: {  	[dreg:$0x4] =	wrdreg $0x13880  }
0xb1: {  	[dreg:$0x5] =	wrdreg $0x9  }
0xb2: {  	_ =	task.clear_ibuf [dreg:s6], $0x6FFFF;
	_ =	strace $0x90000046  }
0xb3: {  	s29 =	simm.s32 $0x9;
	_ =	strace $0x80000048  }
0xb4: {  	_ =	swait.ge [sflag:s29], $0x1  }
0xb5: {  	[sflag:s29] =	ssyncadd.s32 $0xFFFFFFFF  }
0xb6: {  	_ =	strace $0x90000048  }
0xb7: {  	_ =	sfence  }
0xb8: {  	s30 =	sld [smem:$0x0];
	_ =	sdelay $0x2  }
0xb9: {  	s31 =	sshll.u32 s1, $0xD;
	s1 =	sshrl.u32 s1, $0x2  }
0xba: {  	s3 =	sand.u32 $0x4000, s31;
	s1 =	sadd.s32 s1, s30  }
0xbb: {  	s0 =	sor.u32 s3, s0;
	s1 =	sshll.u32 s1, $0x11  }
0xbc: {  	s0 =	sor.u32 s1, s0  }
0xbd: {  	s0 =	sadd.s32 $0x8F2B, s0  }
0xbe: {  	[sflag:s0] =	ssyncadd.remote.s32 $0x1  }
0xbf: {  	_ =	sfence.sel $0xFFFF  }
0xc0: {  	[dreg:$0x0] =	wrdreg $0xFFFFFFFF;
	(pc) =	sbr.abs _section_cstart, $3  }
0xc1: {  	[dreg:$0x1] =	wrdreg $0xFFFFFFFF  }
0xc2: {  	_ =	task.clear_ibuf [dreg:s6], $0x2FFFF;
	_ =	strace $0x9FFFFFFF  }
0xc3: {  	(tm) =	ssettm $0x7FFFFFFF  }
tec
execute0_lowered:
.L_overlay_start_1:
0x0: {  	(tag) =	ssettag $0x1  }
0x1: {  	s5 =	rddreg [dreg:$0x0]  }
0x2: {  	s0 =	stileid.u32;
	s2 =	rddreg [dreg:$0x1]  }
0x3: {  	s1 =	srdreg.scid;
	s3 =	rddreg [dreg:$0x2]  }
0x4: {  	s4 =	simm.s32 $0x0;
	s12 =	simm.s32 $0x2710;
	s25 =	sand.u32 $0x1, s1  }
0x5: {  	s30 =	sshll.u32 s0, $0x1;
	s7 =	smul.u32 $0x1388, s0;
	s1 =	rddreg [dreg:$0x3]  }
0x6: {  	[smem:$0x7FF] =	sst s4;
	s28 =	sshll.u32 s0, $0x6;
	s6 =	sor.u32 s25, s30  }
0x7: {  	_ =	strace $0x80000047;
	s10 =	sor.u32 $0x1C02, s28;
	s6 =	smul.u32 $0x2710, s6  }
0x8: {  	s8 =	sshrl.u32 s7, $0x3;
	s9 =	sadd.s32 s7, s2;
	s11 =	sadd.s32 s7, s3  }
0x9: {  	s26 =	sadd.s32 s8, s5;
	s9 =	sshrl.u32 s9, $0x3;
	s6 =	sshrl.u32 s6, $0x3  }
0xa: {  	s11 =	sshrl.u32 s11, $0x3;
	s7 =	sadd.s32 $0x18200, s26;
	s13 =	sadd.s32 s6, s5  }
0xb: {  	s5 =	sadd.s32 $0x15A00, s26;
	s6 =	sor.u32 $0x1C01, s28;
	s8 =	sadd.s32 $0x2000, s13  }
0xc: {  	[spmem:s9], [sflag:s6] =	dma.local [hbm:s5], $0x271  }
0xd: {  	[spmem:s11], [sflag:s10] =	dma.local [hbm:s7], $0x271  }
0xe: {  	[tilespmem:s12], [sflag:$0x3] =	stream.linear.gather [hbm4b:s8+s4], $0x2710, $0x38;
	[tilespmem:$0x1ADB0] =	vst v63  }
0xf: {  	s14 =	simm.s32 $0x4E20;
	s15 =	simm.s32 $0x1;
	s13 =	sadd.s32 $0xBC40, s13  }
0x10: {  	[tilespmem:s14], [sflag:$0x4] =	stream.linear.gather [hbm4b:s13+s4], $0x2710, $0x38;
	[tilespmem:$0x1ADB0] =	vst v63  }
0x11: {  	_ =	swait.ge [sflag:s15], $0x271  }
0x12: {  	[sflag:s15] =	ssyncset.done $0x0  }
0x13: {  	s16 =	simm.s32 $0x2;
	[sflag:s15] =	ssyncadd.s32 $0xFFFFFD8F  }
0x14: {  	_ =	swait.ge [sflag:s16], $0x271  }
0x15: {  	[sflag:s16] =	ssyncset.done $0x0  }
0x16: {  	s17 =	simm.s32 $0x3;
	[sflag:s16] =	ssyncadd.s32 $0xFFFFFD8F  }
0x17: {  	_ =	swait.ge [sflag:s17], $0x2710  }
0x18: {  	[sflag:s17] =	ssyncset.done $0x0  }
0x19: {  	s18 =	simm.s32 $0x4;
	[sflag:s17] =	ssyncadd.s32 $0xFFFFD8F0  }
0x1a: {  	_ =	swait.ge [sflag:s18], $0x2710  }
0x1b: {  	[sflag:s18] =	ssyncset.done $0x0  }
0x1c: {  	[sflag:s18] =	ssyncadd.s32 $0xFFFFD8F0  }
0x1d: {  	s19 =	simm.s32 $0x1388;
	s20 =	simm.s32 $0x7530;
	[bflag:$0x0] =	sbarrier.arrive $0xFFFF  }
0x1e: {  	[tilespmem:s20], [sflag:$0x1] =	stream.indirect.gather [spmem:s2], $0x8, s12, s19, $0xb8;
	[tilespmem:$0x1ADB0] =	vst v63  }
0x1f: {  	_ =	swait.ge [sflag:s15], $0x9C40  }
0x20: {  	[sflag:s15] =	ssyncset.done $0x0  }
0x21: {  	s21 =	simm.s32 $0x3A98;
	s22 =	simm.s32 $0x11170;
	[sflag:s15] =	ssyncadd.s32 $0xFFFF63C0  }
0x22: {  	[tilespmem:s22], [sflag:$0x2] =	stream.indirect.gather [spmem:s2], $0x8, s21, s19, $0xb8;
	[tilespmem:$0x1ADB0] =	vst v63  }
0x23: {  	s23 =	simm.s32 $0x5  }
0x24: {  	[spmem:s3] =	stream.indirect.scatter.add.f32 [tilespmem:s20], [sflag:$0x5], $0x8, s14, s19, $0xb8;
	[tilespmem:$0x1ADB0] =	vst v63  }
0x25: {  	_ =	swait.ge [sflag:s23], $0x9C40  }
0x26: {  	[sflag:s23] =	ssyncset.done $0x0  }
0x27: {  	[sflag:s23] =	ssyncadd.s32 $0xFFFF63C0  }
0x28: {  	p0 =	seq.s32 s25, $0x1;
	s25 =	ssub.s32 $0x2, s25;
	_ =	swait.ge [sflag:s16], $0x9C40  }
0x29: {  	s30 =	sshrl.u32 s25, $0x1;
	[sflag:s16] =	ssyncset.done $0x0  }
0x2a: {  	s24 =	simm.s32 $0x61A8;
	s30 =	ssub.s32 s25, s30;
	[sflag:s16] =	ssyncadd.s32 $0xFFFF63C0  }
0x2b: {  	[spmem:s3] =	stream.indirect.scatter.add.f32 [tilespmem:s22], [sflag:$0x5], $0x8, s24, s19, $0xb8;
	[tilespmem:$0x1ADB0] =	vst v63  }
0x2c: {  	s29 =	simm.s32 $0x1D200;
	s31 =	smax.u32 s30, $0x1;
	_ =	swait.ge [sflag:s23], $0x9C40  }
0x2d: {  	s29 =	simm.s32 @!p0 $0x1AA00;
	p0 =	sne.s32 s31, $0x1;
	[sflag:s23] =	ssyncset.done $0x0  }
.Ltmp0:
0x2e: {  	[sflag:s23] =	ssyncadd.s32 $0xFFFF63C0;
	(pc) =	sbr.rel @!p0 .LBB2_2-.Ltmp0, $4  }
0x2f: {  	s25 =	sadd.s32 s29, s26;
	s26 =	sor.u32 $0x1C05, s28;
	[bflag:$0x0] =	sbarrier.arrive $0xFFFF  }
0x30: {  	[hbm:s25], [sflag:s26] =	dma.local [spmem:s11], $0x271  }
0x31: {  	_ =	swait.ge [sflag:s23], $0x271  }
0x32: {  	s28 =	sadd.s32 $0xFFFFFFFF, s31;
	[sflag:s23] =	ssyncset.done $0x0  }
.LBB2_1:
0x33: {  	p0 =	sne.s32 s28, $0x1;
	s28 =	sadd.s32 $0xFFFFFFFF, s28;
	[sflag:s23] =	ssyncadd.s32 $0xFFFFFD8F  }
0x34: {  	[spmem:s9], [sflag:s6] =	dma.local [hbm:s5], $0x271  }
0x35: {  	[spmem:s11], [sflag:s10] =	dma.local [hbm:s7], $0x271  }
0x36: {  	[tilespmem:s12], [sflag:$0x3] =	stream.linear.gather [hbm4b:s8+s4], $0x2710, $0x38;
	[tilespmem:$0x1ADB0] =	vst v63  }
0x37: {  	_ = 	snop  }
0x38: {  	[tilespmem:s14], [sflag:$0x4] =	stream.linear.gather [hbm4b:s13+s4], $0x2710, $0x38;
	[tilespmem:$0x1ADB0] =	vst v63  }
0x39: {  	_ =	swait.ge [sflag:s15], $0x271  }
0x3a: {  	[sflag:s15] =	ssyncset.done $0x0  }
0x3b: {  	[sflag:s15] =	ssyncadd.s32 $0xFFFFFD8F  }
0x3c: {  	_ =	swait.ge [sflag:s16], $0x271  }
0x3d: {  	[sflag:s16] =	ssyncset.done $0x0  }
0x3e: {  	[sflag:s16] =	ssyncadd.s32 $0xFFFFFD8F  }
0x3f: {  	_ =	swait.ge [sflag:s17], $0x2710  }
0x40: {  	[sflag:s17] =	ssyncset.done $0x0  }
0x41: {  	[sflag:s17] =	ssyncadd.s32 $0xFFFFD8F0  }
0x42: {  	_ =	swait.ge [sflag:s18], $0x2710  }
0x43: {  	[sflag:s18] =	ssyncset.done $0x0  }
0x44: {  	[sflag:s18] =	ssyncadd.s32 $0xFFFFD8F0  }
0x45: {  	[bflag:$0x0] =	sbarrier.arrive $0xFFFF  }
0x46: {  	[tilespmem:s20], [sflag:$0x1] =	stream.indirect.gather [spmem:s2], $0x8, s12, s19, $0xb8;
	[tilespmem:$0x1ADB0] =	vst v63  }
0x47: {  	_ =	swait.ge [sflag:s15], $0x9C40  }
0x48: {  	[sflag:s15] =	ssyncset.done $0x0  }
0x49: {  	[sflag:s15] =	ssyncadd.s32 $0xFFFF63C0  }
0x4a: {  	[tilespmem:s22], [sflag:$0x2] =	stream.indirect.gather [spmem:s2], $0x8, s21, s19, $0xb8;
	[tilespmem:$0x1ADB0] =	vst v63  }
0x4b: {  	_ = 	snop  }
0x4c: {  	[spmem:s3] =	stream.indirect.scatter.add.f32 [tilespmem:s20], [sflag:$0x5], $0x8, s14, s19, $0xb8;
	[tilespmem:$0x1ADB0] =	vst v63  }
0x4d: {  	_ =	swait.ge [sflag:s23], $0x9C40  }
0x4e: {  	[sflag:s23] =	ssyncset.done $0x0  }
0x4f: {  	[sflag:s23] =	ssyncadd.s32 $0xFFFF63C0  }
0x50: {  	_ =	swait.ge [sflag:s16], $0x9C40  }
0x51: {  	[sflag:s16] =	ssyncset.done $0x0  }
0x52: {  	[sflag:s16] =	ssyncadd.s32 $0xFFFF63C0  }
0x53: {  	[spmem:s3] =	stream.indirect.scatter.add.f32 [tilespmem:s22], [sflag:$0x5], $0x8, s24, s19, $0xb8;
	[tilespmem:$0x1ADB0] =	vst v63  }
0x54: {  	_ =	swait.ge [sflag:s23], $0x9C40  }
0x55: {  	[sflag:s23] =	ssyncset.done $0x0  }
.Ltmp1:
0x56: {  	[sflag:s23] =	ssyncadd.s32 $0xFFFF63C0;
	(pc) =	sbr.rel @p0 .LBB2_1-.Ltmp1, $4  }
0x57: {  	[bflag:$0x0] =	sbarrier.arrive $0xFFFF  }
0x58: {  	[hbm:s25], [sflag:s26] =	dma.local [spmem:s11], $0x271  }
0x59: {  	_ =	swait.ge [sflag:s23], $0x271  }
0x5a: {  	[sflag:s23] =	ssyncset.done $0x0  }
.LBB2_2:
0x5b: {  	[sflag:s23] =	ssyncadd.s32 $0xFFFFFD8F  }
0x5c: {  	_ =	sfence.sel $0x180000  }
0x5d: {  	[bflag:$0x0] =	sbarrier.arrive $0xFFFF  }
0x5e: {  	p0 =	sne.s32 s0, $0x0;
	_ =	strace $0x90000047  }
0x5f: {  	s0 =	sadd.s32 @!p0 $0x100000, s1;
	[bflag:$0x2] =	sbarrier.arrive $0xFFFF  }
0x60: {  	[sflag:s0] =	ssyncadd.tile.s32 @!p0 $0x1;
	_ =	shalt  }
.Lfunc_end2:
_tile_overlayer_lowered:
.L_overlay_start_2:
0x61: {  	(tag) =	ssettag $0x2  }
0x62: {  	s0 =	rddreg [dreg:$0x0];
	s2 =	stileid.u32  }
0x63: {  	s1 =	rddreg [dreg:$0x1];
	p0 =	sne.s32 s2, $0x0  }
0x64: {  	s3 =	rddreg [dreg:$0x2];
	[bflag:$0x3] =	sbarrier.arrive $0xFFFF;
	s2 =	simm.s32 @!p0 $0x1C05  }
0x65: {  	[timem:s3], [sflag:s2] =	dma.local @!p0 [hbm:s0], s1  }
0x66: {  	s0 =	simm.s32 @!p0 $0x5  }
0x67: {  	_ =	swait.ge @!p0 [sflag:s0], s1  }
0x68: {  	s1 =	ssub.s32 @!p0 $0x0, s1;
	[sflag:s0] =	ssyncset.done @!p0 $0x0  }
0x69: {  	[sflag:s0] =	ssyncadd.s32 @!p0 s1  }
0x6a: {  	[bflag:$0x3] =	sbarrier.arrive $0xFFFF  }
0x6b: {  	_ =	shalt  }

</sc_bundles>
